<compile_context>
chip_gen: v7x
topology: tpu7x:2x2x1
jax: 0.10.2.dev20260603
libtpu: 0.0.44.dev20260713+nightly
codegen_flags: <defaults>
</compile_context>

<pallas_src>
import functools

import jax
import jax.numpy as jnp
from jax import lax
from jax.experimental import pallas as pl
from jax.experimental.pallas import tpu as pltpu
from jax.experimental.pallas import tpu_sc as plsc

B = 16384
F = 128
NC = 2
NS = 16
NW = NC * NS
CH = 128
NSLICE = 4
SB = B // NSLICE


def _sc_gather(user, item, embed_user, embed_item, u_bias, i_bias):
    nb = user.shape[0]
    bpw = nb // NW
    nchunk = bpw // CH
    mesh = plsc.VectorSubcoreMesh(core_axis_name="c", subcore_axis_name="s")

    @functools.partial(
        pl.kernel,
        mesh=mesh,
        out_type=(
            jax.ShapeDtypeStruct((nb, F), jnp.float32),
            jax.ShapeDtypeStruct((nb,), jnp.float32),
            jax.ShapeDtypeStruct((nb,), jnp.float32),
        ),
        scratch_types=[
            pltpu.VMEM((CH,), jnp.int32),
            pltpu.VMEM((CH,), jnp.int32),
            pltpu.VMEM((CH, F), jnp.float32),
            pltpu.VMEM((CH, F), jnp.float32),
            pltpu.VMEM((CH,), jnp.float32),
            pltpu.VMEM((CH,), jnp.float32),
            pltpu.SemaphoreType.DMA,
        ],
    )
    def k(user_h, item_h, eu_h, ei_h, ub_h, ib_h,
          fm_h, ubg_h, ibg_h,
          idx_u, idx_i, ru, ri, bu, bi, sem):
        wid = lax.axis_index("s") * NC + lax.axis_index("c")
        base = wid * bpw
        for c in range(nchunk):
            off = base + c * CH
            pltpu.sync_copy(user_h.at[pl.ds(off, CH)], idx_u)
            pltpu.sync_copy(item_h.at[pl.ds(off, CH)], idx_i)
            cu = pltpu.async_copy(eu_h.at[idx_u], ru, sem)
            ci = pltpu.async_copy(ei_h.at[idx_i], ri, sem)
            cbu = pltpu.async_copy(ub_h.at[idx_u], bu, sem)
            cbi = pltpu.async_copy(ib_h.at[idx_i], bi, sem)
            cu.wait()
            ci.wait()
            cbu.wait()
            cbi.wait()

            def mul_row(r, _):
                for j in range(F // 16):
                    sl = pl.ds(j * 16, 16)
                    ru[r, sl] = ru[r, sl] * ri[r, sl]
                return _

            lax.fori_loop(0, CH, mul_row, 0)
            pltpu.sync_copy(ru, fm_h.at[pl.ds(off, CH)])
            pltpu.sync_copy(bu, ubg_h.at[pl.ds(off, CH)])
            pltpu.sync_copy(bi, ibg_h.at[pl.ds(off, CH)])

    return k(user, item, embed_user, embed_item, u_bias, i_bias)


def _tc_mlp(fm_g, ub_g, ib_g, bias2, W0, b0, W1, b1, W2, b2, pred_w):
    nb = fm_g.shape[0]
    BT = 1024

    def body(fm_ref, ub_ref, ib_ref, bias_ref,
             W0r, b0r, W1r, b1r, W2r, b2r, pwr, out_ref):
        x = fm_ref[...]
        for Wr, br in ((W0r, b0r), (W1r, b1r), (W2r, b2r)):
            x = lax.dot_general(x, Wr[...], (((1,), (1,)), ((), ())),
                                preferred_element_type=jnp.float32)
            x = jnp.maximum(x + br[...], 0.0)
        x = x + (ub_ref[...] + ib_ref[...] + bias_ref[...])
        out_ref[...] = lax.dot_general(x, pwr[...], (((1,), (1,)), ((), ())),
                                       preferred_element_type=jnp.float32)

    full = lambda shape: pl.BlockSpec(shape, lambda i: (0, 0))
    out = pl.pallas_call(
        body,
        grid=(nb // BT,),
        in_specs=[
            pl.BlockSpec((BT, F), lambda i: (i, 0)),
            pl.BlockSpec((BT, 1), lambda i: (i, 0)),
            pl.BlockSpec((BT, 1), lambda i: (i, 0)),
            full((1, 1)),
            full((F, F)), full((1, F)),
            full((F, F)), full((1, F)),
            full((F, F)), full((1, F)),
            full((1, F)),
        ],
        out_specs=pl.BlockSpec((BT, 1), lambda i: (i, 0)),
        out_shape=jax.ShapeDtypeStruct((nb, 1), jnp.float32),
    )(fm_g, ub_g, ib_g, bias2,
      W0, b0.reshape(1, F), W1, b1.reshape(1, F), W2, b2.reshape(1, F),
      pred_w)
    return out


def kernel(user, item, embed_user, embed_item, u_bias, i_bias, bias_,
           W0, b0, W1, b1, W2, b2, pred_w):
    user = user.astype(jnp.int32)
    item = item.astype(jnp.int32)
    ub_flat = u_bias.reshape(-1)
    ib_flat = i_bias.reshape(-1)
    bias2 = bias_.reshape(1, 1)
    preds = []
    for s in range(NSLICE):
        sl = slice(s * SB, (s + 1) * SB)
        fm_g, ub_g, ib_g = _sc_gather(
            user[sl], item[sl], embed_user, embed_item, ub_flat, ib_flat)
        preds.append(_tc_mlp(fm_g, ub_g.reshape(SB, 1), ib_g.reshape(SB, 1),
                             bias2, W0, b0, W1, b1, W2, b2, pred_w))
    pred = jnp.concatenate(preds, axis=0)
    return pred.reshape(-1)

# --- scband reference (transcript-rebuilt; emitter-appended) ---
"""Pipeline reference for scband-point-nfm-84464826843165 (READ-ONLY COPY).

The authoritative reference and input builder live on the scoring server;
editing this copy changes nothing except your own understanding.
"""

import jax, jax.numpy as jnp
import numpy as np

USER_NUM = 100000
ITEM_NUM = 100000
FACTORS = 128
NUM_LAYERS = 3
BATCH = 16384


def setup_inputs(seed: int = 0) -> dict:
    key = jax.random.key(seed)
    ks = jax.random.split(key, 16)
    user = jax.random.randint(ks[0], (BATCH,), 0, USER_NUM, dtype=jnp.int64) if jax.config.jax_enable_x64 else jax.random.randint(ks[0], (BATCH,), 0, USER_NUM, dtype=jnp.int32)
    item = jax.random.randint(ks[1], (BATCH,), 0, ITEM_NUM, dtype=jnp.int32)
    embed_user = jax.random.normal(ks[2], (USER_NUM, FACTORS), dtype=jnp.float32) * 0.01
    embed_item = jax.random.normal(ks[3], (ITEM_NUM, FACTORS), dtype=jnp.float32) * 0.01
    u_bias = jnp.zeros((USER_NUM, 1), dtype=jnp.float32)
    i_bias = jnp.zeros((ITEM_NUM, 1), dtype=jnp.float32)
    bias_ = jnp.zeros((1,), dtype=jnp.float32)
    # MLP layers: Linear(128,128) x3, xavier normal init
    xav_w = float(np.sqrt(2.0 / (FACTORS + FACTORS)))
    W0 = jax.random.normal(ks[4], (FACTORS, FACTORS), dtype=jnp.float32) * xav_w
    b0 = jnp.zeros((FACTORS,), dtype=jnp.float32)
    W1 = jax.random.normal(ks[5], (FACTORS, FACTORS), dtype=jnp.float32) * xav_w
    b1 = jnp.zeros((FACTORS,), dtype=jnp.float32)
    W2 = jax.random.normal(ks[6], (FACTORS, FACTORS), dtype=jnp.float32) * xav_w
    b2 = jnp.zeros((FACTORS,), dtype=jnp.float32)
    xav_p = float(np.sqrt(2.0 / (FACTORS + 1)))
    pred_w = jax.random.normal(ks[7], (1, FACTORS), dtype=jnp.float32) * xav_p
    return {
        'user': user, 'item': item,
        'embed_user': embed_user, 'embed_item': embed_item,
        'u_bias': u_bias, 'i_bias': i_bias, 'bias_': bias_,
        'W0': W0, 'b0': b0, 'W1': W1, 'b1': b1, 'W2': W2, 'b2': b2,
        'pred_w': pred_w,
    }


def reference(user, item, embed_user, embed_item, u_bias, i_bias, bias_, W0, b0, W1, b1, W2, b2, pred_w):
    # embedding lookups (SparseCore gather)
    eu = jnp.take(embed_user, user, axis=0)          # [B, F]
    ei = jnp.take(embed_item, item, axis=0)          # [B, F]
    fm = eu * ei                                     # bi-interaction (FM) term
    # FM_layers: batch_norm=False, dropout is identity in eval mode
    # deep MLP layers with ReLU (dropout identity in eval)
    for W, b in ((W0, b0), (W1, b1), (W2, b2)):
        fm = jax.nn.relu(fm @ W.T + b)
    # bias terms broadcast over feature dim, matching torch fm += u_bias + i_bias + bias_
    fm = fm + jnp.take(u_bias, user, axis=0) + jnp.take(i_bias, item, axis=0) + bias_
    pred = fm @ pred_w.T                             # [B, 1]
    return pred.reshape(-1)

if __name__ == "__main__":
    import jax
    _d = setup_inputs()
    print(jax.jit(kernel)(*tuple(_d.values())))

</pallas_src>

<mosaic_0001>
#map = affine_map<(d0, d1) -> (0)>
#map1 = affine_map<(d0, d1) -> (0, 0)>
module attributes {stable_mosaic.version = 14 : i64} {
  func.func @k(%arg0: i32, %arg1: i32, %arg2: memref<4096xi32, #tpu.memory_space<hbm>>, %arg3: memref<4096xi32, #tpu.memory_space<hbm>>, %arg4: memref<100000x128xf32, #tpu.memory_space<hbm>>, %arg5: memref<100000x128xf32, #tpu.memory_space<hbm>>, %arg6: memref<100000xf32, #tpu.memory_space<hbm>>, %arg7: memref<100000xf32, #tpu.memory_space<hbm>>, %arg8: memref<4096x128xf32, #tpu.memory_space<hbm>>, %arg9: memref<4096xf32, #tpu.memory_space<hbm>>, %arg10: memref<4096xf32, #tpu.memory_space<hbm>>, %arg11: memref<128xi32, #tpu.memory_space<vmem>>, %arg12: memref<128xi32, #tpu.memory_space<vmem>>, %arg13: memref<128x128xf32, #tpu.memory_space<vmem>>, %arg14: memref<128x128xf32, #tpu.memory_space<vmem>>, %arg15: memref<128xf32, #tpu.memory_space<vmem>>, %arg16: memref<128xf32, #tpu.memory_space<vmem>>, %arg17: memref<!tpu.dma_semaphore, #tpu.memory_space<semaphore_mem>>) attributes {dimension_semantics = [#tpu.dimension_semantics<core_parallel>, #tpu.dimension_semantics<subcore_parallel>], iteration_bounds = array<i64: 2, 16>, scalar_prefetch = 0 : i64, scratch_operands = 7 : i64, tpu.core_type = #tpu.core_type<sc_vector_subcore>, window_params = [{transform_indices = #map}, {transform_indices = #map}, {transform_indices = #map1}, {transform_indices = #map1}, {transform_indices = #map}, {transform_indices = #map}, {transform_indices = #map1}, {transform_indices = #map}, {transform_indices = #map}]} {
    %mul3A = arith.constant 2 : i32
    %mul3A_0 = arith.muli %arg1, %mul3A : i32
    %add3A = arith.addi %mul3A_0, %arg0 : i32
    %mul3A_1 = arith.constant 128 : i32
    %mul3A_2 = arith.muli %add3A, %mul3A_1 : i32
    %add3A_3 = arith.constant 0 : i32
    %add3A_4 = arith.addi %mul3A_2, %add3A_3 : i32
    "tpu.region"() ({
      %run_scoped3A = tpu.sem_alloc : memref<!tpu.dma_semaphore, #tpu.memory_space<semaphore_mem>>
      %dma_start3A_28 = tpu.memref_slice %arg2[%add3A_4] : memref<4096xi32, #tpu.memory_space<hbm>> -> memref<128xi32, #tpu.memory_space<hbm>>
      %dma_start3A_29 = tpu.memref_slice %arg2[%add3A_4] : memref<4096xi32, #tpu.memory_space<hbm>> -> memref<128xi32, #tpu.memory_space<hbm>>
      tpu.enqueue_dma source(%dma_start3A_29 : memref<128xi32, #tpu.memory_space<hbm>>) target(%arg11 : memref<128xi32, #tpu.memory_space<vmem>>) target_semaphore(%run_scoped3A : memref<!tpu.dma_semaphore, #tpu.memory_space<semaphore_mem>>)
      %dma_wait3A_30 = tpu.memref_slice %arg2[%add3A_4] : memref<4096xi32, #tpu.memory_space<hbm>> -> memref<128xi32, #tpu.memory_space<hbm>>
      %dma_wait3A_31 = tpu.memref_slice %arg2[%add3A_4] : memref<4096xi32, #tpu.memory_space<hbm>> -> memref<128xi32, #tpu.memory_space<hbm>>
      tpu.wait_dma2 semaphore(%run_scoped3A : memref<!tpu.dma_semaphore, #tpu.memory_space<semaphore_mem>>) src(%dma_wait3A_31 : memref<128xi32, #tpu.memory_space<hbm>>) dst(%arg11 : memref<128xi32, #tpu.memory_space<vmem>>)
      tpu.yield
    }) : () -> ()
    "tpu.region"() ({
      %run_scoped3A = tpu.sem_alloc : memref<!tpu.dma_semaphore, #tpu.memory_space<semaphore_mem>>
      %dma_start3A_28 = tpu.memref_slice %arg3[%add3A_4] : memref<4096xi32, #tpu.memory_space<hbm>> -> memref<128xi32, #tpu.memory_space<hbm>>
      %dma_start3A_29 = tpu.memref_slice %arg3[%add3A_4] : memref<4096xi32, #tpu.memory_space<hbm>> -> memref<128xi32, #tpu.memory_space<hbm>>
      tpu.enqueue_dma source(%dma_start3A_29 : memref<128xi32, #tpu.memory_space<hbm>>) target(%arg12 : memref<128xi32, #tpu.memory_space<vmem>>) target_semaphore(%run_scoped3A : memref<!tpu.dma_semaphore, #tpu.memory_space<semaphore_mem>>)
      %dma_wait3A_30 = tpu.memref_slice %arg3[%add3A_4] : memref<4096xi32, #tpu.memory_space<hbm>> -> memref<128xi32, #tpu.memory_space<hbm>>
      %dma_wait3A_31 = tpu.memref_slice %arg3[%add3A_4] : memref<4096xi32, #tpu.memory_space<hbm>> -> memref<128xi32, #tpu.memory_space<hbm>>
      tpu.wait_dma2 semaphore(%run_scoped3A : memref<!tpu.dma_semaphore, #tpu.memory_space<semaphore_mem>>) src(%dma_wait3A_31 : memref<128xi32, #tpu.memory_space<hbm>>) dst(%arg12 : memref<128xi32, #tpu.memory_space<vmem>>)
      tpu.yield
    }) : () -> ()
    %dma_start3A = arith.constant 0 : i32
    %dma_start3A_5 = arith.constant 0 : i32
    %dma_start3A_6 = tpu.memref_slice %arg4[%dma_start3A, %dma_start3A_5] : memref<100000x128xf32, #tpu.memory_space<hbm>> -> memref<100000x128xf32, #tpu.memory_space<hbm>>
    tpu.enqueue_indirect_dma source(%dma_start3A_6 : memref<100000x128xf32, #tpu.memory_space<hbm>>) target(%arg13 : memref<128x128xf32, #tpu.memory_space<vmem>>) offsets(%arg11 : memref<128xi32, #tpu.memory_space<vmem>>) semaphore(%arg17 : memref<!tpu.dma_semaphore, #tpu.memory_space<semaphore_mem>>)
    %dma_start3A_7 = arith.constant 0 : i32
    %dma_start3A_8 = arith.constant 0 : i32
    %dma_start3A_9 = tpu.memref_slice %arg5[%dma_start3A_7, %dma_start3A_8] : memref<100000x128xf32, #tpu.memory_space<hbm>> -> memref<100000x128xf32, #tpu.memory_space<hbm>>
    tpu.enqueue_indirect_dma source(%dma_start3A_9 : memref<100000x128xf32, #tpu.memory_space<hbm>>) target(%arg14 : memref<128x128xf32, #tpu.memory_space<vmem>>) offsets(%arg12 : memref<128xi32, #tpu.memory_space<vmem>>) semaphore(%arg17 : memref<!tpu.dma_semaphore, #tpu.memory_space<semaphore_mem>>)
    %dma_start3A_10 = arith.constant 0 : i32
    %dma_start3A_11 = tpu.memref_slice %arg6[%dma_start3A_10] : memref<100000xf32, #tpu.memory_space<hbm>> -> memref<100000xf32, #tpu.memory_space<hbm>>
    tpu.enqueue_indirect_dma source(%dma_start3A_11 : memref<100000xf32, #tpu.memory_space<hbm>>) target(%arg15 : memref<128xf32, #tpu.memory_space<vmem>>) offsets(%arg11 : memref<128xi32, #tpu.memory_space<vmem>>) semaphore(%arg17 : memref<!tpu.dma_semaphore, #tpu.memory_space<semaphore_mem>>)
    %dma_start3A_12 = arith.constant 0 : i32
    %dma_start3A_13 = tpu.memref_slice %arg7[%dma_start3A_12] : memref<100000xf32, #tpu.memory_space<hbm>> -> memref<100000xf32, #tpu.memory_space<hbm>>
    tpu.enqueue_indirect_dma source(%dma_start3A_13 : memref<100000xf32, #tpu.memory_space<hbm>>) target(%arg16 : memref<128xf32, #tpu.memory_space<vmem>>) offsets(%arg12 : memref<128xi32, #tpu.memory_space<vmem>>) semaphore(%arg17 : memref<!tpu.dma_semaphore, #tpu.memory_space<semaphore_mem>>)
    %dma_wait3A = arith.constant 0 : i32
    %dma_wait3A_14 = arith.constant 0 : i32
    %dma_wait3A_15 = tpu.memref_slice %arg4[%dma_wait3A, %dma_wait3A_14] : memref<100000x128xf32, #tpu.memory_space<hbm>> -> memref<100000x128xf32, #tpu.memory_space<hbm>>
    tpu.wait_indirect_dma semaphore(%arg17 : memref<!tpu.dma_semaphore, #tpu.memory_space<semaphore_mem>>) src(%dma_wait3A_15 : memref<100000x128xf32, #tpu.memory_space<hbm>>) dst(%arg13 : memref<128x128xf32, #tpu.memory_space<vmem>>)
    %dma_wait3A_16 = arith.constant 0 : i32
    %dma_wait3A_17 = arith.constant 0 : i32
    %dma_wait3A_18 = tpu.memref_slice %arg5[%dma_wait3A_16, %dma_wait3A_17] : memref<100000x128xf32, #tpu.memory_space<hbm>> -> memref<100000x128xf32, #tpu.memory_space<hbm>>
    tpu.wait_indirect_dma semaphore(%arg17 : memref<!tpu.dma_semaphore, #tpu.memory_space<semaphore_mem>>) src(%dma_wait3A_18 : memref<100000x128xf32, #tpu.memory_space<hbm>>) dst(%arg14 : memref<128x128xf32, #tpu.memory_space<vmem>>)
    %dma_wait3A_19 = arith.constant 0 : i32
    %dma_wait3A_20 = tpu.memref_slice %arg6[%dma_wait3A_19] : memref<100000xf32, #tpu.memory_space<hbm>> -> memref<100000xf32, #tpu.memory_space<hbm>>
    tpu.wait_indirect_dma semaphore(%arg17 : memref<!tpu.dma_semaphore, #tpu.memory_space<semaphore_mem>>) src(%dma_wait3A_20 : memref<100000xf32, #tpu.memory_space<hbm>>) dst(%arg15 : memref<128xf32, #tpu.memory_space<vmem>>)
    %dma_wait3A_21 = arith.constant 0 : i32
    %dma_wait3A_22 = tpu.memref_slice %arg7[%dma_wait3A_21] : memref<100000xf32, #tpu.memory_space<hbm>> -> memref<100000xf32, #tpu.memory_space<hbm>>
    tpu.wait_indirect_dma semaphore(%arg17 : memref<!tpu.dma_semaphore, #tpu.memory_space<semaphore_mem>>) src(%dma_wait3A_22 : memref<100000xf32, #tpu.memory_space<hbm>>) dst(%arg16 : memref<128xf32, #tpu.memory_space<vmem>>)
    %scan3A = arith.constant 0 : i32
    %scan3A_23 = arith.constant 0 : i32
    %scan3A_24 = arith.constant 128 : i32
    %scan3A_25 = arith.addi %scan3A_23, %scan3A_24 : i32
    %scan3A_26 = arith.constant 1 : i32
    scf.for %scan3A_28 = %scan3A_23 to %scan3A_25 step %scan3A_26  : i32 {
      %get3A = arith.index_cast %scan3A_28 : i32 to index
      %get3A_29 = arith.constant 0 : index
      %get3A_30 = tpu.vector_load %arg13[%get3A, %get3A_29] {strides = array<i32>} : memref<128x128xf32, #tpu.memory_space<vmem>>, vector<1x16xf32>,
      %get3A_31 = vector.shape_cast %get3A_30 : vector<1x16xf32> to vector<16xf32>
      %get3A_32 = arith.index_cast %scan3A_28 : i32 to index
      %get3A_33 = arith.constant 0 : index
      %get3A_34 = tpu.vector_load %arg14[%get3A_32, %get3A_33] {strides = array<i32>} : memref<128x128xf32, #tpu.memory_space<vmem>>, vector<1x16xf32>,
      %get3A_35 = vector.shape_cast %get3A_34 : vector<1x16xf32> to vector<16xf32>
      %mul3A_36 = arith.mulf %get3A_31, %get3A_35 : vector<16xf32>
      %swap3A = arith.index_cast %scan3A_28 : i32 to index
      %swap3A_37 = arith.constant 0 : index
      %swap3A_38 = tpu.vector_load %arg13[%swap3A, %swap3A_37] {strides = array<i32>} : memref<128x128xf32, #tpu.memory_space<vmem>>, vector<1x16xf32>,
      %swap3A_39 = vector.shape_cast %swap3A_38 : vector<1x16xf32> to vector<16xf32>
      %swap3A_40 = vector.shape_cast %mul3A_36 : vector<16xf32> to vector<1x16xf32>
      tpu.vector_store %arg13[%swap3A, %swap3A_37], %swap3A_40 {strides = array<i32>} : memref<128x128xf32, #tpu.memory_space<vmem>>, vector<1x16xf32>,
      %get3A_41 = arith.index_cast %scan3A_28 : i32 to index
      %get3A_42 = arith.constant 16 : index
      %get3A_43 = tpu.vector_load %arg13[%get3A_41, %get3A_42] {strides = array<i32>} : memref<128x128xf32, #tpu.memory_space<vmem>>, vector<1x16xf32>,
      %get3A_44 = vector.shape_cast %get3A_43 : vector<1x16xf32> to vector<16xf32>
      %get3A_45 = arith.index_cast %scan3A_28 : i32 to index
      %get3A_46 = arith.constant 16 : index
      %get3A_47 = tpu.vector_load %arg14[%get3A_45, %get3A_46] {strides = array<i32>} : memref<128x128xf32, #tpu.memory_space<vmem>>, vector<1x16xf32>,
      %get3A_48 = vector.shape_cast %get3A_47 : vector<1x16xf32> to vector<16xf32>
      %mul3A_49 = arith.mulf %get3A_44, %get3A_48 : vector<16xf32>
      %swap3A_50 = arith.index_cast %scan3A_28 : i32 to index
      %swap3A_51 = arith.constant 16 : index
      %swap3A_52 = tpu.vector_load %arg13[%swap3A_50, %swap3A_51] {strides = array<i32>} : memref<128x128xf32, #tpu.memory_space<vmem>>, vector<1x16xf32>,
      %swap3A_53 = vector.shape_cast %swap3A_52 : vector<1x16xf32> to vector<16xf32>
      %swap3A_54 = vector.shape_cast %mul3A_49 : vector<16xf32> to vector<1x16xf32>
      tpu.vector_store %arg13[%swap3A_50, %swap3A_51], %swap3A_54 {strides = array<i32>} : memref<128x128xf32, #tpu.memory_space<vmem>>, vector<1x16xf32>,
      %get3A_55 = arith.index_cast %scan3A_28 : i32 to index
      %get3A_56 = arith.constant 32 : index
      %get3A_57 = tpu.vector_load %arg13[%get3A_55, %get3A_56] {strides = array<i32>} : memref<128x128xf32, #tpu.memory_space<vmem>>, vector<1x16xf32>,
      %get3A_58 = vector.shape_cast %get3A_57 : vector<1x16xf32> to vector<16xf32>
      %get3A_59 = arith.index_cast %scan3A_28 : i32 to index
      %get3A_60 = arith.constant 32 : index
      %get3A_61 = tpu.vector_load %arg14[%get3A_59, %get3A_60] {strides = array<i32>} : memref<128x128xf32, #tpu.memory_space<vmem>>, vector<1x16xf32>,
      %get3A_62 = vector.shape_cast %get3A_61 : vector<1x16xf32> to vector<16xf32>
      %mul3A_63 = arith.mulf %get3A_58, %get3A_62 : vector<16xf32>
      %swap3A_64 = arith.index_cast %scan3A_28 : i32 to index
      %swap3A_65 = arith.constant 32 : index
      %swap3A_66 = tpu.vector_load %arg13[%swap3A_64, %swap3A_65] {strides = array<i32>} : memref<128x128xf32, #tpu.memory_space<vmem>>, vector<1x16xf32>,
      %swap3A_67 = vector.shape_cast %swap3A_66 : vector<1x16xf32> to vector<16xf32>
      %swap3A_68 = vector.shape_cast %mul3A_63 : vector<16xf32> to vector<1x16xf32>
      tpu.vector_store %arg13[%swap3A_64, %swap3A_65], %swap3A_68 {strides = array<i32>} : memref<128x128xf32, #tpu.memory_space<vmem>>, vector<1x16xf32>,
      %get3A_69 = arith.index_cast %scan3A_28 : i32 to index
      %get3A_70 = arith.constant 48 : index
      %get3A_71 = tpu.vector_load %arg13[%get3A_69, %get3A_70] {strides = array<i32>} : memref<128x128xf32, #tpu.memory_space<vmem>>, vector<1x16xf32>,
      %get3A_72 = vector.shape_cast %get3A_71 : vector<1x16xf32> to vector<16xf32>
      %get3A_73 = arith.index_cast %scan3A_28 : i32 to index
      %get3A_74 = arith.constant 48 : index
      %get3A_75 = tpu.vector_load %arg14[%get3A_73, %get3A_74] {strides = array<i32>} : memref<128x128xf32, #tpu.memory_space<vmem>>, vector<1x16xf32>,
      %get3A_76 = vector.shape_cast %get3A_75 : vector<1x16xf32> to vector<16xf32>
      %mul3A_77 = arith.mulf %get3A_72, %get3A_76 : vector<16xf32>
      %swap3A_78 = arith.index_cast %scan3A_28 : i32 to index
      %swap3A_79 = arith.constant 48 : index
      %swap3A_80 = tpu.vector_load %arg13[%swap3A_78, %swap3A_79] {strides = array<i32>} : memref<128x128xf32, #tpu.memory_space<vmem>>, vector<1x16xf32>,
      %swap3A_81 = vector.shape_cast %swap3A_80 : vector<1x16xf32> to vector<16xf32>
      %swap3A_82 = vector.shape_cast %mul3A_77 : vector<16xf32> to vector<1x16xf32>
      tpu.vector_store %arg13[%swap3A_78, %swap3A_79], %swap3A_82 {strides = array<i32>} : memref<128x128xf32, #tpu.memory_space<vmem>>, vector<1x16xf32>,
      %get3A_83 = arith.index_cast %scan3A_28 : i32 to index
      %get3A_84 = arith.constant 64 : index
      %get3A_85 = tpu.vector_load %arg13[%get3A_83, %get3A_84] {strides = array<i32>} : memref<128x128xf32, #tpu.memory_space<vmem>>, vector<1x16xf32>,
      %get3A_86 = vector.shape_cast %get3A_85 : vector<1x16xf32> to vector<16xf32>
      %get3A_87 = arith.index_cast %scan3A_28 : i32 to index
      %get3A_88 = arith.constant 64 : index
      %get3A_89 = tpu.vector_load %arg14[%get3A_87, %get3A_88] {strides = array<i32>} : memref<128x128xf32, #tpu.memory_space<vmem>>, vector<1x16xf32>,
      %get3A_90 = vector.shape_cast %get3A_89 : vector<1x16xf32> to vector<16xf32>
      %mul3A_91 = arith.mulf %get3A_86, %get3A_90 : vector<16xf32>
      %swap3A_92 = arith.index_cast %scan3A_28 : i32 to index
      %swap3A_93 = arith.constant 64 : index
      %swap3A_94 = tpu.vector_load %arg13[%swap3A_92, %swap3A_93] {strides = array<i32>} : memref<128x128xf32, #tpu.memory_space<vmem>>, vector<1x16xf32>,
      %swap3A_95 = vector.shape_cast %swap3A_94 : vector<1x16xf32> to vector<16xf32>
      %swap3A_96 = vector.shape_cast %mul3A_91 : vector<16xf32> to vector<1x16xf32>
      tpu.vector_store %arg13[%swap3A_92, %swap3A_93], %swap3A_96 {strides = array<i32>} : memref<128x128xf32, #tpu.memory_space<vmem>>, vector<1x16xf32>,
      %get3A_97 = arith.index_cast %scan3A_28 : i32 to index
      %get3A_98 = arith.constant 80 : index
      %get3A_99 = tpu.vector_load %arg13[%get3A_97, %get3A_98] {strides = array<i32>} : memref<128x128xf32, #tpu.memory_space<vmem>>, vector<1x16xf32>,
      %get3A_100 = vector.shape_cast %get3A_99 : vector<1x16xf32> to vector<16xf32>
      %get3A_101 = arith.index_cast %scan3A_28 : i32 to index
      %get3A_102 = arith.constant 80 : index
      %get3A_103 = tpu.vector_load %arg14[%get3A_101, %get3A_102] {strides = array<i32>} : memref<128x128xf32, #tpu.memory_space<vmem>>, vector<1x16xf32>,
      %get3A_104 = vector.shape_cast %get3A_103 : vector<1x16xf32> to vector<16xf32>
      %mul3A_105 = arith.mulf %get3A_100, %get3A_104 : vector<16xf32>
      %swap3A_106 = arith.index_cast %scan3A_28 : i32 to index
      %swap3A_107 = arith.constant 80 : index
      %swap3A_108 = tpu.vector_load %arg13[%swap3A_106, %swap3A_107] {strides = array<i32>} : memref<128x128xf32, #tpu.memory_space<vmem>>, vector<1x16xf32>,
      %swap3A_109 = vector.shape_cast %swap3A_108 : vector<1x16xf32> to vector<16xf32>
      %swap3A_110 = vector.shape_cast %mul3A_105 : vector<16xf32> to vector<1x16xf32>
      tpu.vector_store %arg13[%swap3A_106, %swap3A_107], %swap3A_110 {strides = array<i32>} : memref<128x128xf32, #tpu.memory_space<vmem>>, vector<1x16xf32>,
      %get3A_111 = arith.index_cast %scan3A_28 : i32 to index
      %get3A_112 = arith.constant 96 : index
      %get3A_113 = tpu.vector_load %arg13[%get3A_111, %get3A_112] {strides = array<i32>} : memref<128x128xf32, #tpu.memory_space<vmem>>, vector<1x16xf32>,
      %get3A_114 = vector.shape_cast %get3A_113 : vector<1x16xf32> to vector<16xf32>
      %get3A_115 = arith.index_cast %scan3A_28 : i32 to index
      %get3A_116 = arith.constant 96 : index
      %get3A_117 = tpu.vector_load %arg14[%get3A_115, %get3A_116] {strides = array<i32>} : memref<128x128xf32, #tpu.memory_space<vmem>>, vector<1x16xf32>,
      %get3A_118 = vector.shape_cast %get3A_117 : vector<1x16xf32> to vector<16xf32>
      %mul3A_119 = arith.mulf %get3A_114, %get3A_118 : vector<16xf32>
      %swap3A_120 = arith.index_cast %scan3A_28 : i32 to index
      %swap3A_121 = arith.constant 96 : index
      %swap3A_122 = tpu.vector_load %arg13[%swap3A_120, %swap3A_121] {strides = array<i32>} : memref<128x128xf32, #tpu.memory_space<vmem>>, vector<1x16xf32>,
      %swap3A_123 = vector.shape_cast %swap3A_122 : vector<1x16xf32> to vector<16xf32>
      %swap3A_124 = vector.shape_cast %mul3A_119 : vector<16xf32> to vector<1x16xf32>
      tpu.vector_store %arg13[%swap3A_120, %swap3A_121], %swap3A_124 {strides = array<i32>} : memref<128x128xf32, #tpu.memory_space<vmem>>, vector<1x16xf32>,
      %get3A_125 = arith.index_cast %scan3A_28 : i32 to index
      %get3A_126 = arith.constant 112 : index
      %get3A_127 = tpu.vector_load %arg13[%get3A_125, %get3A_126] {strides = array<i32>} : memref<128x128xf32, #tpu.memory_space<vmem>>, vector<1x16xf32>,
      %get3A_128 = vector.shape_cast %get3A_127 : vector<1x16xf32> to vector<16xf32>
      %get3A_129 = arith.index_cast %scan3A_28 : i32 to index
      %get3A_130 = arith.constant 112 : index
      %get3A_131 = tpu.vector_load %arg14[%get3A_129, %get3A_130] {strides = array<i32>} : memref<128x128xf32, #tpu.memory_space<vmem>>, vector<1x16xf32>,
      %get3A_132 = vector.shape_cast %get3A_131 : vector<1x16xf32> to vector<16xf32>
      %mul3A_133 = arith.mulf %get3A_128, %get3A_132 : vector<16xf32>
      %swap3A_134 = arith.index_cast %scan3A_28 : i32 to index
      %swap3A_135 = arith.constant 112 : index
      %swap3A_136 = tpu.vector_load %arg13[%swap3A_134, %swap3A_135] {strides = array<i32>} : memref<128x128xf32, #tpu.memory_space<vmem>>, vector<1x16xf32>,
      %swap3A_137 = vector.shape_cast %swap3A_136 : vector<1x16xf32> to vector<16xf32>
      %swap3A_138 = vector.shape_cast %mul3A_133 : vector<16xf32> to vector<1x16xf32>
      tpu.vector_store %arg13[%swap3A_134, %swap3A_135], %swap3A_138 {strides = array<i32>} : memref<128x128xf32, #tpu.memory_space<vmem>>, vector<1x16xf32>,
    }
    %scan3A_27 = arith.constant 128 : i32
    "tpu.region"() ({
      %run_scoped3A = tpu.sem_alloc : memref<!tpu.dma_semaphore, #tpu.memory_space<semaphore_mem>>
      %dma_start3A_28 = arith.constant 0 : i32
      %dma_start3A_29 = tpu.memref_slice %arg8[%add3A_4, %dma_start3A_28] : memref<4096x128xf32, #tpu.memory_space<hbm>> -> memref<128x128xf32, #tpu.memory_space<hbm>>
      %dma_start3A_30 = arith.constant 0 : i32
      %dma_start3A_31 = tpu.memref_slice %arg8[%add3A_4, %dma_start3A_30] : memref<4096x128xf32, #tpu.memory_space<hbm>> -> memref<128x128xf32, #tpu.memory_space<hbm>>
      tpu.enqueue_dma source(%arg13 : memref<128x128xf32, #tpu.memory_space<vmem>>) target(%dma_start3A_31 : memref<128x128xf32, #tpu.memory_space<hbm>>) target_semaphore(%run_scoped3A : memref<!tpu.dma_semaphore, #tpu.memory_space<semaphore_mem>>)
      %dma_wait3A_32 = arith.constant 0 : i32
      %dma_wait3A_33 = tpu.memref_slice %arg8[%add3A_4, %dma_wait3A_32] : memref<4096x128xf32, #tpu.memory_space<hbm>> -> memref<128x128xf32, #tpu.memory_space<hbm>>
      %dma_wait3A_34 = arith.constant 0 : i32
      %dma_wait3A_35 = tpu.memref_slice %arg8[%add3A_4, %dma_wait3A_34] : memref<4096x128xf32, #tpu.memory_space<hbm>> -> memref<128x128xf32, #tpu.memory_space<hbm>>
      tpu.wait_dma2 semaphore(%run_scoped3A : memref<!tpu.dma_semaphore, #tpu.memory_space<semaphore_mem>>) src(%arg13 : memref<128x128xf32, #tpu.memory_space<vmem>>) dst(%dma_wait3A_35 : memref<128x128xf32, #tpu.memory_space<hbm>>)
      tpu.yield
    }) : () -> ()
    "tpu.region"() ({
      %run_scoped3A = tpu.sem_alloc : memref<!tpu.dma_semaphore, #tpu.memory_space<semaphore_mem>>
      %dma_start3A_28 = tpu.memref_slice %arg9[%add3A_4] : memref<4096xf32, #tpu.memory_space<hbm>> -> memref<128xf32, #tpu.memory_space<hbm>>
      %dma_start3A_29 = tpu.memref_slice %arg9[%add3A_4] : memref<4096xf32, #tpu.memory_space<hbm>> -> memref<128xf32, #tpu.memory_space<hbm>>
      tpu.enqueue_dma source(%arg15 : memref<128xf32, #tpu.memory_space<vmem>>) target(%dma_start3A_29 : memref<128xf32, #tpu.memory_space<hbm>>) target_semaphore(%run_scoped3A : memref<!tpu.dma_semaphore, #tpu.memory_space<semaphore_mem>>)
      %dma_wait3A_30 = tpu.memref_slice %arg9[%add3A_4] : memref<4096xf32, #tpu.memory_space<hbm>> -> memref<128xf32, #tpu.memory_space<hbm>>
      %dma_wait3A_31 = tpu.memref_slice %arg9[%add3A_4] : memref<4096xf32, #tpu.memory_space<hbm>> -> memref<128xf32, #tpu.memory_space<hbm>>
      tpu.wait_dma2 semaphore(%run_scoped3A : memref<!tpu.dma_semaphore, #tpu.memory_space<semaphore_mem>>) src(%arg15 : memref<128xf32, #tpu.memory_space<vmem>>) dst(%dma_wait3A_31 : memref<128xf32, #tpu.memory_space<hbm>>)
      tpu.yield
    }) : () -> ()
    "tpu.region"() ({
      %run_scoped3A = tpu.sem_alloc : memref<!tpu.dma_semaphore, #tpu.memory_space<semaphore_mem>>
      %dma_start3A_28 = tpu.memref_slice %arg10[%add3A_4] : memref<4096xf32, #tpu.memory_space<hbm>> -> memref<128xf32, #tpu.memory_space<hbm>>
      %dma_start3A_29 = tpu.memref_slice %arg10[%add3A_4] : memref<4096xf32, #tpu.memory_space<hbm>> -> memref<128xf32, #tpu.memory_space<hbm>>
      tpu.enqueue_dma source(%arg16 : memref<128xf32, #tpu.memory_space<vmem>>) target(%dma_start3A_29 : memref<128xf32, #tpu.memory_space<hbm>>) target_semaphore(%run_scoped3A : memref<!tpu.dma_semaphore, #tpu.memory_space<semaphore_mem>>)
      %dma_wait3A_30 = tpu.memref_slice %arg10[%add3A_4] : memref<4096xf32, #tpu.memory_space<hbm>> -> memref<128xf32, #tpu.memory_space<hbm>>
      %dma_wait3A_31 = tpu.memref_slice %arg10[%add3A_4] : memref<4096xf32, #tpu.memory_space<hbm>> -> memref<128xf32, #tpu.memory_space<hbm>>
      tpu.wait_dma2 semaphore(%run_scoped3A : memref<!tpu.dma_semaphore, #tpu.memory_space<semaphore_mem>>) src(%arg16 : memref<128xf32, #tpu.memory_space<vmem>>) dst(%dma_wait3A_31 : memref<128xf32, #tpu.memory_space<hbm>>)
      tpu.yield
    }) : () -> ()
    return
  }
}

#map = affine_map<(d0, d1) -> (0)>
#map1 = affine_map<(d0, d1) -> (0, 0)>
module attributes {stable_mosaic.version = 14 : i64} {
  func.func @k(%arg0: i32, %arg1: i32, %arg2: memref<4096xi32, #tpu.memory_space<hbm>>, %arg3: memref<4096xi32, #tpu.memory_space<hbm>>, %arg4: memref<100000x128xf32, #tpu.memory_space<hbm>>, %arg5: memref<100000x128xf32, #tpu.memory_space<hbm>>, %arg6: memref<100000xf32, #tpu.memory_space<hbm>>, %arg7: memref<100000xf32, #tpu.memory_space<hbm>>, %arg8: memref<4096x128xf32, #tpu.memory_space<hbm>>, %arg9: memref<4096xf32, #tpu.memory_space<hbm>>, %arg10: memref<4096xf32, #tpu.memory_space<hbm>>, %arg11: memref<128xi32, #tpu.memory_space<vmem>>, %arg12: memref<128xi32, #tpu.memory_space<vmem>>, %arg13: memref<128x128xf32, #tpu.memory_space<vmem>>, %arg14: memref<128x128xf32, #tpu.memory_space<vmem>>, %arg15: memref<128xf32, #tpu.memory_space<vmem>>, %arg16: memref<128xf32, #tpu.memory_space<vmem>>, %arg17: memref<!tpu.dma_semaphore, #tpu.memory_space<semaphore_mem>>) attributes {dimension_semantics = [#tpu.dimension_semantics<core_parallel>, #tpu.dimension_semantics<subcore_parallel>], iteration_bounds = array<i64: 2, 16>, scalar_prefetch = 0 : i64, scratch_operands = 7 : i64, tpu.core_type = #tpu.core_type<sc_vector_subcore>, window_params = [{transform_indices = #map}, {transform_indices = #map}, {transform_indices = #map1}, {transform_indices = #map1}, {transform_indices = #map}, {transform_indices = #map}, {transform_indices = #map1}, {transform_indices = #map}, {transform_indices = #map}]} {
    %mul3A = arith.constant 2 : i32
    %mul3A_0 = arith.muli %arg1, %mul3A : i32
    %add3A = arith.addi %mul3A_0, %arg0 : i32
    %mul3A_1 = arith.constant 128 : i32
    %mul3A_2 = arith.muli %add3A, %mul3A_1 : i32
    %add3A_3 = arith.constant 0 : i32
    %add3A_4 = arith.addi %mul3A_2, %add3A_3 : i32
    "tpu.region"() ({
      %run_scoped3A = tpu.sem_alloc : memref<!tpu.dma_semaphore, #tpu.memory_space<semaphore_mem>>
      %dma_start3A_28 = tpu.memref_slice %arg2[%add3A_4] : memref<4096xi32, #tpu.memory_space<hbm>> -> memref<128xi32, #tpu.memory_space<hbm>>
      %dma_start3A_29 = tpu.memref_slice %arg2[%add3A_4] : memref<4096xi32, #tpu.memory_space<hbm>> -> memref<128xi32, #tpu.memory_space<hbm>>
      tpu.enqueue_dma source(%dma_start3A_29 : memref<128xi32, #tpu.memory_space<hbm>>) target(%arg11 : memref<128xi32, #tpu.memory_space<vmem>>) target_semaphore(%run_scoped3A : memref<!tpu.dma_semaphore, #tpu.memory_space<semaphore_mem>>)
      %dma_wait3A_30 = tpu.memref_slice %arg2[%add3A_4] : memref<4096xi32, #tpu.memory_space<hbm>> -> memref<128xi32, #tpu.memory_space<hbm>>
      %dma_wait3A_31 = tpu.memref_slice %arg2[%add3A_4] : memref<4096xi32, #tpu.memory_space<hbm>> -> memref<128xi32, #tpu.memory_space<hbm>>
      tpu.wait_dma2 semaphore(%run_scoped3A : memref<!tpu.dma_semaphore, #tpu.memory_space<semaphore_mem>>) src(%dma_wait3A_31 : memref<128xi32, #tpu.memory_space<hbm>>) dst(%arg11 : memref<128xi32, #tpu.memory_space<vmem>>)
      tpu.yield
    }) : () -> ()
    "tpu.region"() ({
      %run_scoped3A = tpu.sem_alloc : memref<!tpu.dma_semaphore, #tpu.memory_space<semaphore_mem>>
      %dma_start3A_28 = tpu.memref_slice %arg3[%add3A_4] : memref<4096xi32, #tpu.memory_space<hbm>> -> memref<128xi32, #tpu.memory_space<hbm>>
      %dma_start3A_29 = tpu.memref_slice %arg3[%add3A_4] : memref<4096xi32, #tpu.memory_space<hbm>> -> memref<128xi32, #tpu.memory_space<hbm>>
      tpu.enqueue_dma source(%dma_start3A_29 : memref<128xi32, #tpu.memory_space<hbm>>) target(%arg12 : memref<128xi32, #tpu.memory_space<vmem>>) target_semaphore(%run_scoped3A : memref<!tpu.dma_semaphore, #tpu.memory_space<semaphore_mem>>)
      %dma_wait3A_30 = tpu.memref_slice %arg3[%add3A_4] : memref<4096xi32, #tpu.memory_space<hbm>> -> memref<128xi32, #tpu.memory_space<hbm>>
      %dma_wait3A_31 = tpu.memref_slice %arg3[%add3A_4] : memref<4096xi32, #tpu.memory_space<hbm>> -> memref<128xi32, #tpu.memory_space<hbm>>
      tpu.wait_dma2 semaphore(%run_scoped3A : memref<!tpu.dma_semaphore, #tpu.memory_space<semaphore_mem>>) src(%dma_wait3A_31 : memref<128xi32, #tpu.memory_space<hbm>>) dst(%arg12 : memref<128xi32, #tpu.memory_space<vmem>>)
      tpu.yield
    }) : () -> ()
    %dma_start3A = arith.constant 0 : i32
    %dma_start3A_5 = arith.constant 0 : i32
    %dma_start3A_6 = tpu.memref_slice %arg4[%dma_start3A, %dma_start3A_5] : memref<100000x128xf32, #tpu.memory_space<hbm>> -> memref<100000x128xf32, #tpu.memory_space<hbm>>
    tpu.enqueue_indirect_dma source(%dma_start3A_6 : memref<100000x128xf32, #tpu.memory_space<hbm>>) target(%arg13 : memref<128x128xf32, #tpu.memory_space<vmem>>) offsets(%arg11 : memref<128xi32, #tpu.memory_space<vmem>>) semaphore(%arg17 : memref<!tpu.dma_semaphore, #tpu.memory_space<semaphore_mem>>)
    %dma_start3A_7 = arith.constant 0 : i32
    %dma_start3A_8 = arith.constant 0 : i32
    %dma_start3A_9 = tpu.memref_slice %arg5[%dma_start3A_7, %dma_start3A_8] : memref<100000x128xf32, #tpu.memory_space<hbm>> -> memref<100000x128xf32, #tpu.memory_space<hbm>>
    tpu.enqueue_indirect_dma source(%dma_start3A_9 : memref<100000x128xf32, #tpu.memory_space<hbm>>) target(%arg14 : memref<128x128xf32, #tpu.memory_space<vmem>>) offsets(%arg12 : memref<128xi32, #tpu.memory_space<vmem>>) semaphore(%arg17 : memref<!tpu.dma_semaphore, #tpu.memory_space<semaphore_mem>>)
    %dma_start3A_10 = arith.constant 0 : i32
    %dma_start3A_11 = tpu.memref_slice %arg6[%dma_start3A_10] : memref<100000xf32, #tpu.memory_space<hbm>> -> memref<100000xf32, #tpu.memory_space<hbm>>
    tpu.enqueue_indirect_dma source(%dma_start3A_11 : memref<100000xf32, #tpu.memory_space<hbm>>) target(%arg15 : memref<128xf32, #tpu.memory_space<vmem>>) offsets(%arg11 : memref<128xi32, #tpu.memory_space<vmem>>) semaphore(%arg17 : memref<!tpu.dma_semaphore, #tpu.memory_space<semaphore_mem>>)
    %dma_start3A_12 = arith.constant 0 : i32
    %dma_start3A_13 = tpu.memref_slice %arg7[%dma_start3A_12] : memref<100000xf32, #tpu.memory_space<hbm>> -> memref<100000xf32, #tpu.memory_space<hbm>>
    tpu.enqueue_indirect_dma source(%dma_start3A_13 : memref<100000xf32, #tpu.memory_space<hbm>>) target(%arg16 : memref<128xf32, #tpu.memory_space<vmem>>) offsets(%arg12 : memref<128xi32, #tpu.memory_space<vmem>>) semaphore(%arg17 : memref<!tpu.dma_semaphore, #tpu.memory_space<semaphore_mem>>)
    %dma_wait3A = arith.constant 0 : i32
    %dma_wait3A_14 = arith.constant 0 : i32
    %dma_wait3A_15 = tpu.memref_slice %arg4[%dma_wait3A, %dma_wait3A_14] : memref<100000x128xf32, #tpu.memory_space<hbm>> -> memref<100000x128xf32, #tpu.memory_space<hbm>>
    tpu.wait_indirect_dma semaphore(%arg17 : memref<!tpu.dma_semaphore, #tpu.memory_space<semaphore_mem>>) src(%dma_wait3A_15 : memref<100000x128xf32, #tpu.memory_space<hbm>>) dst(%arg13 : memref<128x128xf32, #tpu.memory_space<vmem>>)
    %dma_wait3A_16 = arith.constant 0 : i32
    %dma_wait3A_17 = arith.constant 0 : i32
    %dma_wait3A_18 = tpu.memref_slice %arg5[%dma_wait3A_16, %dma_wait3A_17] : memref<100000x128xf32, #tpu.memory_space<hbm>> -> memref<100000x128xf32, #tpu.memory_space<hbm>>
    tpu.wait_indirect_dma semaphore(%arg17 : memref<!tpu.dma_semaphore, #tpu.memory_space<semaphore_mem>>) src(%dma_wait3A_18 : memref<100000x128xf32, #tpu.memory_space<hbm>>) dst(%arg14 : memref<128x128xf32, #tpu.memory_space<vmem>>)
    %dma_wait3A_19 = arith.constant 0 : i32
    %dma_wait3A_20 = tpu.memref_slice %arg6[%dma_wait3A_19] : memref<100000xf32, #tpu.memory_space<hbm>> -> memref<100000xf32, #tpu.memory_space<hbm>>
    tpu.wait_indirect_dma semaphore(%arg17 : memref<!tpu.dma_semaphore, #tpu.memory_space<semaphore_mem>>) src(%dma_wait3A_20 : memref<100000xf32, #tpu.memory_space<hbm>>) dst(%arg15 : memref<128xf32, #tpu.memory_space<vmem>>)
    %dma_wait3A_21 = arith.constant 0 : i32
    %dma_wait3A_22 = tpu.memref_slice %arg7[%dma_wait3A_21] : memref<100000xf32, #tpu.memory_space<hbm>> -> memref<100000xf32, #tpu.memory_space<hbm>>
    tpu.wait_indirect_dma semaphore(%arg17 : memref<!tpu.dma_semaphore, #tpu.memory_space<semaphore_mem>>) src(%dma_wait3A_22 : memref<100000xf32, #tpu.memory_space<hbm>>) dst(%arg16 : memref<128xf32, #tpu.memory_space<vmem>>)
    %scan3A = arith.constant 0 : i32
    %scan3A_23 = arith.constant 0 : i32
    %scan3A_24 = arith.constant 128 : i32
    %scan3A_25 = arith.addi %scan3A_23, %scan3A_24 : i32
    %scan3A_26 = arith.constant 1 : i32
    scf.for %scan3A_28 = %scan3A_23 to %scan3A_25 step %scan3A_26  : i32 {
      %get3A = arith.index_cast %scan3A_28 : i32 to index
      %get3A_29 = arith.constant 0 : index
      %get3A_30 = tpu.vector_load %arg13[%get3A, %get3A_29] {strides = array<i32>} : memref<128x128xf32, #tpu.memory_space<vmem>>, vector<1x16xf32>,
      %get3A_31 = vector.shape_cast %get3A_30 : vector<1x16xf32> to vector<16xf32>
      %get3A_32 = arith.index_cast %scan3A_28 : i32 to index
      %get3A_33 = arith.constant 0 : index
      %get3A_34 = tpu.vector_load %arg14[%get3A_32, %get3A_33] {strides = array<i32>} : memref<128x128xf32, #tpu.memory_space<vmem>>, vector<1x16xf32>,
      %get3A_35 = vector.shape_cast %get3A_34 : vector<1x16xf32> to vector<16xf32>
      %mul3A_36 = arith.mulf %get3A_31, %get3A_35 : vector<16xf32>
      %swap3A = arith.index_cast %scan3A_28 : i32 to index
      %swap3A_37 = arith.constant 0 : index
      %swap3A_38 = tpu.vector_load %arg13[%swap3A, %swap3A_37] {strides = array<i32>} : memref<128x128xf32, #tpu.memory_space<vmem>>, vector<1x16xf32>,
      %swap3A_39 = vector.shape_cast %swap3A_38 : vector<1x16xf32> to vector<16xf32>
      %swap3A_40 = vector.shape_cast %mul3A_36 : vector<16xf32> to vector<1x16xf32>
      tpu.vector_store %arg13[%swap3A, %swap3A_37], %swap3A_40 {strides = array<i32>} : memref<128x128xf32, #tpu.memory_space<vmem>>, vector<1x16xf32>,
      %get3A_41 = arith.index_cast %scan3A_28 : i32 to index
      %get3A_42 = arith.constant 16 : index
      %get3A_43 = tpu.vector_load %arg13[%get3A_41, %get3A_42] {strides = array<i32>} : memref<128x128xf32, #tpu.memory_space<vmem>>, vector<1x16xf32>,
      %get3A_44 = vector.shape_cast %get3A_43 : vector<1x16xf32> to vector<16xf32>
      %get3A_45 = arith.index_cast %scan3A_28 : i32 to index
      %get3A_46 = arith.constant 16 : index
      %get3A_47 = tpu.vector_load %arg14[%get3A_45, %get3A_46] {strides = array<i32>} : memref<128x128xf32, #tpu.memory_space<vmem>>, vector<1x16xf32>,
      %get3A_48 = vector.shape_cast %get3A_47 : vector<1x16xf32> to vector<16xf32>
      %mul3A_49 = arith.mulf %get3A_44, %get3A_48 : vector<16xf32>
      %swap3A_50 = arith.index_cast %scan3A_28 : i32 to index
      %swap3A_51 = arith.constant 16 : index
      %swap3A_52 = tpu.vector_load %arg13[%swap3A_50, %swap3A_51] {strides = array<i32>} : memref<128x128xf32, #tpu.memory_space<vmem>>, vector<1x16xf32>,
      %swap3A_53 = vector.shape_cast %swap3A_52 : vector<1x16xf32> to vector<16xf32>
      %swap3A_54 = vector.shape_cast %mul3A_49 : vector<16xf32> to vector<1x16xf32>
      tpu.vector_store %arg13[%swap3A_50, %swap3A_51], %swap3A_54 {strides = array<i32>} : memref<128x128xf32, #tpu.memory_space<vmem>>, vector<1x16xf32>,
      %get3A_55 = arith.index_cast %scan3A_28 : i32 to index
      %get3A_56 = arith.constant 32 : index
      %get3A_57 = tpu.vector_load %arg13[%get3A_55, %get3A_56] {strides = array<i32>} : memref<128x128xf32, #tpu.memory_space<vmem>>, vector<1x16xf32>,
      %get3A_58 = vector.shape_cast %get3A_57 : vector<1x16xf32> to vector<16xf32>
      %get3A_59 = arith.index_cast %scan3A_28 : i32 to index
      %get3A_60 = arith.constant 32 : index
      %get3A_61 = tpu.vector_load %arg14[%get3A_59, %get3A_60] {strides = array<i32>} : memref<128x128xf32, #tpu.memory_space<vmem>>, vector<1x16xf32>,
      %get3A_62 = vector.shape_cast %get3A_61 : vector<1x16xf32> to vector<16xf32>
      %mul3A_63 = arith.mulf %get3A_58, %get3A_62 : vector<16xf32>
      %swap3A_64 = arith.index_cast %scan3A_28 : i32 to index
      %swap3A_65 = arith.constant 32 : index
      %swap3A_66 = tpu.vector_load %arg13[%swap3A_64, %swap3A_65] {strides = array<i32>} : memref<128x128xf32, #tpu.memory_space<vmem>>, vector<1x16xf32>,
      %swap3A_67 = vector.shape_cast %swap3A_66 : vector<1x16xf32> to vector<16xf32>
      %swap3A_68 = vector.shape_cast %mul3A_63 : vector<16xf32> to vector<1x16xf32>
      tpu.vector_store %arg13[%swap3A_64, %swap3A_65], %swap3A_68 {strides = array<i32>} : memref<128x128xf32, #tpu.memory_space<vmem>>, vector<1x16xf32>,
      %get3A_69 = arith.index_cast %scan3A_28 : i32 to index
      %get3A_70 = arith.constant 48 : index
      %get3A_71 = tpu.vector_load %arg13[%get3A_69, %get3A_70] {strides = array<i32>} : memref<128x128xf32, #tpu.memory_space<vmem>>, vector<1x16xf32>,
      %get3A_72 = vector.shape_cast %get3A_71 : vector<1x16xf32> to vector<16xf32>
      %get3A_73 = arith.index_cast %scan3A_28 : i32 to index
      %get3A_74 = arith.constant 48 : index
      %get3A_75 = tpu.vector_load %arg14[%get3A_73, %get3A_74] {strides = array<i32>} : memref<128x128xf32, #tpu.memory_space<vmem>>, vector<1x16xf32>,
      %get3A_76 = vector.shape_cast %get3A_75 : vector<1x16xf32> to vector<16xf32>
      %mul3A_77 = arith.mulf %get3A_72, %get3A_76 : vector<16xf32>
      %swap3A_78 = arith.index_cast %scan3A_28 : i32 to index
      %swap3A_79 = arith.constant 48 : index
      %swap3A_80 = tpu.vector_load %arg13[%swap3A_78, %swap3A_79] {strides = array<i32>} : memref<128x128xf32, #tpu.memory_space<vmem>>, vector<1x16xf32>,
      %swap3A_81 = vector.shape_cast %swap3A_80 : vector<1x16xf32> to vector<16xf32>
      %swap3A_82 = vector.shape_cast %mul3A_77 : vector<16xf32> to vector<1x16xf32>
      tpu.vector_store %arg13[%swap3A_78, %swap3A_79], %swap3A_82 {strides = array<i32>} : memref<128x128xf32, #tpu.memory_space<vmem>>, vector<1x16xf32>,
      %get3A_83 = arith.index_cast %scan3A_28 : i32 to index
      %get3A_84 = arith.constant 64 : index
      %get3A_85 = tpu.vector_load %arg13[%get3A_83, %get3A_84] {strides = array<i32>} : memref<128x128xf32, #tpu.memory_space<vmem>>, vector<1x16xf32>,
      %get3A_86 = vector.shape_cast %get3A_85 : vector<1x16xf32> to vector<16xf32>
      %get3A_87 = arith.index_cast %scan3A_28 : i32 to index
      %get3A_88 = arith.constant 64 : index
      %get3A_89 = tpu.vector_load %arg14[%get3A_87, %get3A_88] {strides = array<i32>} : memref<128x128xf32, #tpu.memory_space<vmem>>, vector<1x16xf32>,
      %get3A_90 = vector.shape_cast %get3A_89 : vector<1x16xf32> to vector<16xf32>
      %mul3A_91 = arith.mulf %get3A_86, %get3A_90 : vector<16xf32>
      %swap3A_92 = arith.index_cast %scan3A_28 : i32 to index
      %swap3A_93 = arith.constant 64 : index
      %swap3A_94 = tpu.vector_load %arg13[%swap3A_92, %swap3A_93] {strides = array<i32>} : memref<128x128xf32, #tpu.memory_space<vmem>>, vector<1x16xf32>,
      %swap3A_95 = vector.shape_cast %swap3A_94 : vector<1x16xf32> to vector<16xf32>
      %swap3A_96 = vector.shape_cast %mul3A_91 : vector<16xf32> to vector<1x16xf32>
      tpu.vector_store %arg13[%swap3A_92, %swap3A_93], %swap3A_96 {strides = array<i32>} : memref<128x128xf32, #tpu.memory_space<vmem>>, vector<1x16xf32>,
      %get3A_97 = arith.index_cast %scan3A_28 : i32 to index
      %get3A_98 = arith.constant 80 : index
      %get3A_99 = tpu.vector_load %arg13[%get3A_97, %get3A_98] {strides = array<i32>} : memref<128x128xf32, #tpu.memory_space<vmem>>, vector<1x16xf32>,
      %get3A_100 = vector.shape_cast %get3A_99 : vector<1x16xf32> to vector<16xf32>
      %get3A_101 = arith.index_cast %scan3A_28 : i32 to index
      %get3A_102 = arith.constant 80 : index
      %get3A_103 = tpu.vector_load %arg14[%get3A_101, %get3A_102] {strides = array<i32>} : memref<128x128xf32, #tpu.memory_space<vmem>>, vector<1x16xf32>,
      %get3A_104 = vector.shape_cast %get3A_103 : vector<1x16xf32> to vector<16xf32>
      %mul3A_105 = arith.mulf %get3A_100, %get3A_104 : vector<16xf32>
      %swap3A_106 = arith.index_cast %scan3A_28 : i32 to index
      %swap3A_107 = arith.constant 80 : index
      %swap3A_108 = tpu.vector_load %arg13[%swap3A_106, %swap3A_107] {strides = array<i32>} : memref<128x128xf32, #tpu.memory_space<vmem>>, vector<1x16xf32>,
      %swap3A_109 = vector.shape_cast %swap3A_108 : vector<1x16xf32> to vector<16xf32>
      %swap3A_110 = vector.shape_cast %mul3A_105 : vector<16xf32> to vector<1x16xf32>
      tpu.vector_store %arg13[%swap3A_106, %swap3A_107], %swap3A_110 {strides = array<i32>} : memref<128x128xf32, #tpu.memory_space<vmem>>, vector<1x16xf32>,
      %get3A_111 = arith.index_cast %scan3A_28 : i32 to index
      %get3A_112 = arith.constant 96 : index
      %get3A_113 = tpu.vector_load %arg13[%get3A_111, %get3A_112] {strides = array<i32>} : memref<128x128xf32, #tpu.memory_space<vmem>>, vector<1x16xf32>,
      %get3A_114 = vector.shape_cast %get3A_113 : vector<1x16xf32> to vector<16xf32>
      %get3A_115 = arith.index_cast %scan3A_28 : i32 to index
      %get3A_116 = arith.constant 96 : index
      %get3A_117 = tpu.vector_load %arg14[%get3A_115, %get3A_116] {strides = array<i32>} : memref<128x128xf32, #tpu.memory_space<vmem>>, vector<1x16xf32>,
      %get3A_118 = vector.shape_cast %get3A_117 : vector<1x16xf32> to vector<16xf32>
      %mul3A_119 = arith.mulf %get3A_114, %get3A_118 : vector<16xf32>
      %swap3A_120 = arith.index_cast %scan3A_28 : i32 to index
      %swap3A_121 = arith.constant 96 : index
      %swap3A_122 = tpu.vector_load %arg13[%swap3A_120, %swap3A_121] {strides = array<i32>} : memref<128x128xf32, #tpu.memory_space<vmem>>, vector<1x16xf32>,
      %swap3A_123 = vector.shape_cast %swap3A_122 : vector<1x16xf32> to vector<16xf32>
      %swap3A_124 = vector.shape_cast %mul3A_119 : vector<16xf32> to vector<1x16xf32>
      tpu.vector_store %arg13[%swap3A_120, %swap3A_121], %swap3A_124 {strides = array<i32>} : memref<128x128xf32, #tpu.memory_space<vmem>>, vector<1x16xf32>,
      %get3A_125 = arith.index_cast %scan3A_28 : i32 to index
      %get3A_126 = arith.constant 112 : index
      %get3A_127 = tpu.vector_load %arg13[%get3A_125, %get3A_126] {strides = array<i32>} : memref<128x128xf32, #tpu.memory_space<vmem>>, vector<1x16xf32>,
      %get3A_128 = vector.shape_cast %get3A_127 : vector<1x16xf32> to vector<16xf32>
      %get3A_129 = arith.index_cast %scan3A_28 : i32 to index
      %get3A_130 = arith.constant 112 : index
      %get3A_131 = tpu.vector_load %arg14[%get3A_129, %get3A_130] {strides = array<i32>} : memref<128x128xf32, #tpu.memory_space<vmem>>, vector<1x16xf32>,
      %get3A_132 = vector.shape_cast %get3A_131 : vector<1x16xf32> to vector<16xf32>
      %mul3A_133 = arith.mulf %get3A_128, %get3A_132 : vector<16xf32>
      %swap3A_134 = arith.index_cast %scan3A_28 : i32 to index
      %swap3A_135 = arith.constant 112 : index
      %swap3A_136 = tpu.vector_load %arg13[%swap3A_134, %swap3A_135] {strides = array<i32>} : memref<128x128xf32, #tpu.memory_space<vmem>>, vector<1x16xf32>,
      %swap3A_137 = vector.shape_cast %swap3A_136 : vector<1x16xf32> to vector<16xf32>
      %swap3A_138 = vector.shape_cast %mul3A_133 : vector<16xf32> to vector<1x16xf32>
      tpu.vector_store %arg13[%swap3A_134, %swap3A_135], %swap3A_138 {strides = array<i32>} : memref<128x128xf32, #tpu.memory_space<vmem>>, vector<1x16xf32>,
    }
    %scan3A_27 = arith.constant 128 : i32
    "tpu.region"() ({
      %run_scoped3A = tpu.sem_alloc : memref<!tpu.dma_semaphore, #tpu.memory_space<semaphore_mem>>
      %dma_start3A_28 = arith.constant 0 : i32
      %dma_start3A_29 = tpu.memref_slice %arg8[%add3A_4, %dma_start3A_28] : memref<4096x128xf32, #tpu.memory_space<hbm>> -> memref<128x128xf32, #tpu.memory_space<hbm>>
      %dma_start3A_30 = arith.constant 0 : i32
      %dma_start3A_31 = tpu.memref_slice %arg8[%add3A_4, %dma_start3A_30] : memref<4096x128xf32, #tpu.memory_space<hbm>> -> memref<128x128xf32, #tpu.memory_space<hbm>>
      tpu.enqueue_dma source(%arg13 : memref<128x128xf32, #tpu.memory_space<vmem>>) target(%dma_start3A_31 : memref<128x128xf32, #tpu.memory_space<hbm>>) target_semaphore(%run_scoped3A : memref<!tpu.dma_semaphore, #tpu.memory_space<semaphore_mem>>)
      %dma_wait3A_32 = arith.constant 0 : i32
      %dma_wait3A_33 = tpu.memref_slice %arg8[%add3A_4, %dma_wait3A_32] : memref<4096x128xf32, #tpu.memory_space<hbm>> -> memref<128x128xf32, #tpu.memory_space<hbm>>
      %dma_wait3A_34 = arith.constant 0 : i32
      %dma_wait3A_35 = tpu.memref_slice %arg8[%add3A_4, %dma_wait3A_34] : memref<4096x128xf32, #tpu.memory_space<hbm>> -> memref<128x128xf32, #tpu.memory_space<hbm>>
      tpu.wait_dma2 semaphore(%run_scoped3A : memref<!tpu.dma_semaphore, #tpu.memory_space<semaphore_mem>>) src(%arg13 : memref<128x128xf32, #tpu.memory_space<vmem>>) dst(%dma_wait3A_35 : memref<128x128xf32, #tpu.memory_space<hbm>>)
      tpu.yield
    }) : () -> ()
    "tpu.region"() ({
      %run_scoped3A = tpu.sem_alloc : memref<!tpu.dma_semaphore, #tpu.memory_space<semaphore_mem>>
      %dma_start3A_28 = tpu.memref_slice %arg9[%add3A_4] : memref<4096xf32, #tpu.memory_space<hbm>> -> memref<128xf32, #tpu.memory_space<hbm>>
      %dma_start3A_29 = tpu.memref_slice %arg9[%add3A_4] : memref<4096xf32, #tpu.memory_space<hbm>> -> memref<128xf32, #tpu.memory_space<hbm>>
      tpu.enqueue_dma source(%arg15 : memref<128xf32, #tpu.memory_space<vmem>>) target(%dma_start3A_29 : memref<128xf32, #tpu.memory_space<hbm>>) target_semaphore(%run_scoped3A : memref<!tpu.dma_semaphore, #tpu.memory_space<semaphore_mem>>)
      %dma_wait3A_30 = tpu.memref_slice %arg9[%add3A_4] : memref<4096xf32, #tpu.memory_space<hbm>> -> memref<128xf32, #tpu.memory_space<hbm>>
      %dma_wait3A_31 = tpu.memref_slice %arg9[%add3A_4] : memref<4096xf32, #tpu.memory_space<hbm>> -> memref<128xf32, #tpu.memory_space<hbm>>
      tpu.wait_dma2 semaphore(%run_scoped3A : memref<!tpu.dma_semaphore, #tpu.memory_space<semaphore_mem>>) src(%arg15 : memref<128xf32, #tpu.memory_space<vmem>>) dst(%dma_wait3A_31 : memref<128xf32, #tpu.memory_space<hbm>>)
      tpu.yield
    }) : () -> ()
    "tpu.region"() ({
      %run_scoped3A = tpu.sem_alloc : memref<!tpu.dma_semaphore, #tpu.memory_space<semaphore_mem>>
      %dma_start3A_28 = tpu.memref_slice %arg10[%add3A_4] : memref<4096xf32, #tpu.memory_space<hbm>> -> memref<128xf32, #tpu.memory_space<hbm>>
      %dma_start3A_29 = tpu.memref_slice %arg10[%add3A_4] : memref<4096xf32, #tpu.memory_space<hbm>> -> memref<128xf32, #tpu.memory_space<hbm>>
      tpu.enqueue_dma source(%arg16 : memref<128xf32, #tpu.memory_space<vmem>>) target(%dma_start3A_29 : memref<128xf32, #tpu.memory_space<hbm>>) target_semaphore(%run_scoped3A : memref<!tpu.dma_semaphore, #tpu.memory_space<semaphore_mem>>)
      %dma_wait3A_30 = tpu.memref_slice %arg10[%add3A_4] : memref<4096xf32, #tpu.memory_space<hbm>> -> memref<128xf32, #tpu.memory_space<hbm>>
      %dma_wait3A_31 = tpu.memref_slice %arg10[%add3A_4] : memref<4096xf32, #tpu.memory_space<hbm>> -> memref<128xf32, #tpu.memory_space<hbm>>
      tpu.wait_dma2 semaphore(%run_scoped3A : memref<!tpu.dma_semaphore, #tpu.memory_space<semaphore_mem>>) src(%arg16 : memref<128xf32, #tpu.memory_space<vmem>>) dst(%dma_wait3A_31 : memref<128xf32, #tpu.memory_space<hbm>>)
      tpu.yield
    }) : () -> ()
    return
  }
}

#map = affine_map<(d0, d1) -> (0)>
#map1 = affine_map<(d0, d1) -> (0, 0)>
module attributes {stable_mosaic.version = 14 : i64} {
  func.func @k(%arg0: i32, %arg1: i32, %arg2: memref<4096xi32, #tpu.memory_space<hbm>>, %arg3: memref<4096xi32, #tpu.memory_space<hbm>>, %arg4: memref<100000x128xf32, #tpu.memory_space<hbm>>, %arg5: memref<100000x128xf32, #tpu.memory_space<hbm>>, %arg6: memref<100000xf32, #tpu.memory_space<hbm>>, %arg7: memref<100000xf32, #tpu.memory_space<hbm>>, %arg8: memref<4096x128xf32, #tpu.memory_space<hbm>>, %arg9: memref<4096xf32, #tpu.memory_space<hbm>>, %arg10: memref<4096xf32, #tpu.memory_space<hbm>>, %arg11: memref<128xi32, #tpu.memory_space<vmem>>, %arg12: memref<128xi32, #tpu.memory_space<vmem>>, %arg13: memref<128x128xf32, #tpu.memory_space<vmem>>, %arg14: memref<128x128xf32, #tpu.memory_space<vmem>>, %arg15: memref<128xf32, #tpu.memory_space<vmem>>, %arg16: memref<128xf32, #tpu.memory_space<vmem>>, %arg17: memref<!tpu.dma_semaphore, #tpu.memory_space<semaphore_mem>>) attributes {dimension_semantics = [#tpu.dimension_semantics<core_parallel>, #tpu.dimension_semantics<subcore_parallel>], iteration_bounds = array<i64: 2, 16>, scalar_prefetch = 0 : i64, scratch_operands = 7 : i64, tpu.core_type = #tpu.core_type<sc_vector_subcore>, window_params = [{transform_indices = #map}, {transform_indices = #map}, {transform_indices = #map1}, {transform_indices = #map1}, {transform_indices = #map}, {transform_indices = #map}, {transform_indices = #map1}, {transform_indices = #map}, {transform_indices = #map}]} {
    %mul3A = arith.constant 2 : i32
    %mul3A_0 = arith.muli %arg1, %mul3A : i32
    %add3A = arith.addi %mul3A_0, %arg0 : i32
    %mul3A_1 = arith.constant 128 : i32
    %mul3A_2 = arith.muli %add3A, %mul3A_1 : i32
    %add3A_3 = arith.constant 0 : i32
    %add3A_4 = arith.addi %mul3A_2, %add3A_3 : i32
    "tpu.region"() ({
      %run_scoped3A = tpu.sem_alloc : memref<!tpu.dma_semaphore, #tpu.memory_space<semaphore_mem>>
      %dma_start3A_28 = tpu.memref_slice %arg2[%add3A_4] : memref<4096xi32, #tpu.memory_space<hbm>> -> memref<128xi32, #tpu.memory_space<hbm>>
      %dma_start3A_29 = tpu.memref_slice %arg2[%add3A_4] : memref<4096xi32, #tpu.memory_space<hbm>> -> memref<128xi32, #tpu.memory_space<hbm>>
      tpu.enqueue_dma source(%dma_start3A_29 : memref<128xi32, #tpu.memory_space<hbm>>) target(%arg11 : memref<128xi32, #tpu.memory_space<vmem>>) target_semaphore(%run_scoped3A : memref<!tpu.dma_semaphore, #tpu.memory_space<semaphore_mem>>)
      %dma_wait3A_30 = tpu.memref_slice %arg2[%add3A_4] : memref<4096xi32, #tpu.memory_space<hbm>> -> memref<128xi32, #tpu.memory_space<hbm>>
      %dma_wait3A_31 = tpu.memref_slice %arg2[%add3A_4] : memref<4096xi32, #tpu.memory_space<hbm>> -> memref<128xi32, #tpu.memory_space<hbm>>
      tpu.wait_dma2 semaphore(%run_scoped3A : memref<!tpu.dma_semaphore, #tpu.memory_space<semaphore_mem>>) src(%dma_wait3A_31 : memref<128xi32, #tpu.memory_space<hbm>>) dst(%arg11 : memref<128xi32, #tpu.memory_space<vmem>>)
      tpu.yield
    }) : () -> ()
    "tpu.region"() ({
      %run_scoped3A = tpu.sem_alloc : memref<!tpu.dma_semaphore, #tpu.memory_space<semaphore_mem>>
      %dma_start3A_28 = tpu.memref_slice %arg3[%add3A_4] : memref<4096xi32, #tpu.memory_space<hbm>> -> memref<128xi32, #tpu.memory_space<hbm>>
      %dma_start3A_29 = tpu.memref_slice %arg3[%add3A_4] : memref<4096xi32, #tpu.memory_space<hbm>> -> memref<128xi32, #tpu.memory_space<hbm>>
      tpu.enqueue_dma source(%dma_start3A_29 : memref<128xi32, #tpu.memory_space<hbm>>) target(%arg12 : memref<128xi32, #tpu.memory_space<vmem>>) target_semaphore(%run_scoped3A : memref<!tpu.dma_semaphore, #tpu.memory_space<semaphore_mem>>)
      %dma_wait3A_30 = tpu.memref_slice %arg3[%add3A_4] : memref<4096xi32, #tpu.memory_space<hbm>> -> memref<128xi32, #tpu.memory_space<hbm>>
      %dma_wait3A_31 = tpu.memref_slice %arg3[%add3A_4] : memref<4096xi32, #tpu.memory_space<hbm>> -> memref<128xi32, #tpu.memory_space<hbm>>
      tpu.wait_dma2 semaphore(%run_scoped3A : memref<!tpu.dma_semaphore, #tpu.memory_space<semaphore_mem>>) src(%dma_wait3A_31 : memref<128xi32, #tpu.memory_space<hbm>>) dst(%arg12 : memref<128xi32, #tpu.memory_space<vmem>>)
      tpu.yield
    }) : () -> ()
    %dma_start3A = arith.constant 0 : i32
    %dma_start3A_5 = arith.constant 0 : i32
    %dma_start3A_6 = tpu.memref_slice %arg4[%dma_start3A, %dma_start3A_5] : memref<100000x128xf32, #tpu.memory_space<hbm>> -> memref<100000x128xf32, #tpu.memory_space<hbm>>
    tpu.enqueue_indirect_dma source(%dma_start3A_6 : memref<100000x128xf32, #tpu.memory_space<hbm>>) target(%arg13 : memref<128x128xf32, #tpu.memory_space<vmem>>) offsets(%arg11 : memref<128xi32, #tpu.memory_space<vmem>>) semaphore(%arg17 : memref<!tpu.dma_semaphore, #tpu.memory_space<semaphore_mem>>)
    %dma_start3A_7 = arith.constant 0 : i32
    %dma_start3A_8 = arith.constant 0 : i32
    %dma_start3A_9 = tpu.memref_slice %arg5[%dma_start3A_7, %dma_start3A_8] : memref<100000x128xf32, #tpu.memory_space<hbm>> -> memref<100000x128xf32, #tpu.memory_space<hbm>>
    tpu.enqueue_indirect_dma source(%dma_start3A_9 : memref<100000x128xf32, #tpu.memory_space<hbm>>) target(%arg14 : memref<128x128xf32, #tpu.memory_space<vmem>>) offsets(%arg12 : memref<128xi32, #tpu.memory_space<vmem>>) semaphore(%arg17 : memref<!tpu.dma_semaphore, #tpu.memory_space<semaphore_mem>>)
    %dma_start3A_10 = arith.constant 0 : i32
    %dma_start3A_11 = tpu.memref_slice %arg6[%dma_start3A_10] : memref<100000xf32, #tpu.memory_space<hbm>> -> memref<100000xf32, #tpu.memory_space<hbm>>
    tpu.enqueue_indirect_dma source(%dma_start3A_11 : memref<100000xf32, #tpu.memory_space<hbm>>) target(%arg15 : memref<128xf32, #tpu.memory_space<vmem>>) offsets(%arg11 : memref<128xi32, #tpu.memory_space<vmem>>) semaphore(%arg17 : memref<!tpu.dma_semaphore, #tpu.memory_space<semaphore_mem>>)
    %dma_start3A_12 = arith.constant 0 : i32
    %dma_start3A_13 = tpu.memref_slice %arg7[%dma_start3A_12] : memref<100000xf32, #tpu.memory_space<hbm>> -> memref<100000xf32, #tpu.memory_space<hbm>>
    tpu.enqueue_indirect_dma source(%dma_start3A_13 : memref<100000xf32, #tpu.memory_space<hbm>>) target(%arg16 : memref<128xf32, #tpu.memory_space<vmem>>) offsets(%arg12 : memref<128xi32, #tpu.memory_space<vmem>>) semaphore(%arg17 : memref<!tpu.dma_semaphore, #tpu.memory_space<semaphore_mem>>)
    %dma_wait3A = arith.constant 0 : i32
    %dma_wait3A_14 = arith.constant 0 : i32
    %dma_wait3A_15 = tpu.memref_slice %arg4[%dma_wait3A, %dma_wait3A_14] : memref<100000x128xf32, #tpu.memory_space<hbm>> -> memref<100000x128xf32, #tpu.memory_space<hbm>>
    tpu.wait_indirect_dma semaphore(%arg17 : memref<!tpu.dma_semaphore, #tpu.memory_space<semaphore_mem>>) src(%dma_wait3A_15 : memref<100000x128xf32, #tpu.memory_space<hbm>>) dst(%arg13 : memref<128x128xf32, #tpu.memory_space<vmem>>)
    %dma_wait3A_16 = arith.constant 0 : i32
    %dma_wait3A_17 = arith.constant 0 : i32
    %dma_wait3A_18 = tpu.memref_slice %arg5[%dma_wait3A_16, %dma_wait3A_17] : memref<100000x128xf32, #tpu.memory_space<hbm>> -> memref<100000x128xf32, #tpu.memory_space<hbm>>
    tpu.wait_indirect_dma semaphore(%arg17 : memref<!tpu.dma_semaphore, #tpu.memory_space<semaphore_mem>>) src(%dma_wait3A_18 : memref<100000x128xf32, #tpu.memory_space<hbm>>) dst(%arg14 : memref<128x128xf32, #tpu.memory_space<vmem>>)
    %dma_wait3A_19 = arith.constant 0 : i32
    %dma_wait3A_20 = tpu.memref_slice %arg6[%dma_wait3A_19] : memref<100000xf32, #tpu.memory_space<hbm>> -> memref<100000xf32, #tpu.memory_space<hbm>>
    tpu.wait_indirect_dma semaphore(%arg17 : memref<!tpu.dma_semaphore, #tpu.memory_space<semaphore_mem>>) src(%dma_wait3A_20 : memref<100000xf32, #tpu.memory_space<hbm>>) dst(%arg15 : memref<128xf32, #tpu.memory_space<vmem>>)
    %dma_wait3A_21 = arith.constant 0 : i32
    %dma_wait3A_22 = tpu.memref_slice %arg7[%dma_wait3A_21] : memref<100000xf32, #tpu.memory_space<hbm>> -> memref<100000xf32, #tpu.memory_space<hbm>>
    tpu.wait_indirect_dma semaphore(%arg17 : memref<!tpu.dma_semaphore, #tpu.memory_space<semaphore_mem>>) src(%dma_wait3A_22 : memref<100000xf32, #tpu.memory_space<hbm>>) dst(%arg16 : memref<128xf32, #tpu.memory_space<vmem>>)
    %scan3A = arith.constant 0 : i32
    %scan3A_23 = arith.constant 0 : i32
    %scan3A_24 = arith.constant 128 : i32
    %scan3A_25 = arith.addi %scan3A_23, %scan3A_24 : i32
    %scan3A_26 = arith.constant 1 : i32
    scf.for %scan3A_28 = %scan3A_23 to %scan3A_25 step %scan3A_26  : i32 {
      %get3A = arith.index_cast %scan3A_28 : i32 to index
      %get3A_29 = arith.constant 0 : index
      %get3A_30 = tpu.vector_load %arg13[%get3A, %get3A_29] {strides = array<i32>} : memref<128x128xf32, #tpu.memory_space<vmem>>, vector<1x16xf32>,
      %get3A_31 = vector.shape_cast %get3A_30 : vector<1x16xf32> to vector<16xf32>
      %get3A_32 = arith.index_cast %scan3A_28 : i32 to index
      %get3A_33 = arith.constant 0 : index
      %get3A_34 = tpu.vector_load %arg14[%get3A_32, %get3A_33] {strides = array<i32>} : memref<128x128xf32, #tpu.memory_space<vmem>>, vector<1x16xf32>,
      %get3A_35 = vector.shape_cast %get3A_34 : vector<1x16xf32> to vector<16xf32>
      %mul3A_36 = arith.mulf %get3A_31, %get3A_35 : vector<16xf32>
      %swap3A = arith.index_cast %scan3A_28 : i32 to index
      %swap3A_37 = arith.constant 0 : index
      %swap3A_38 = tpu.vector_load %arg13[%swap3A, %swap3A_37] {strides = array<i32>} : memref<128x128xf32, #tpu.memory_space<vmem>>, vector<1x16xf32>,
      %swap3A_39 = vector.shape_cast %swap3A_38 : vector<1x16xf32> to vector<16xf32>
      %swap3A_40 = vector.shape_cast %mul3A_36 : vector<16xf32> to vector<1x16xf32>
      tpu.vector_store %arg13[%swap3A, %swap3A_37], %swap3A_40 {strides = array<i32>} : memref<128x128xf32, #tpu.memory_space<vmem>>, vector<1x16xf32>,
      %get3A_41 = arith.index_cast %scan3A_28 : i32 to index
      %get3A_42 = arith.constant 16 : index
      %get3A_43 = tpu.vector_load %arg13[%get3A_41, %get3A_42] {strides = array<i32>} : memref<128x128xf32, #tpu.memory_space<vmem>>, vector<1x16xf32>,
      %get3A_44 = vector.shape_cast %get3A_43 : vector<1x16xf32> to vector<16xf32>
      %get3A_45 = arith.index_cast %scan3A_28 : i32 to index
      %get3A_46 = arith.constant 16 : index
      %get3A_47 = tpu.vector_load %arg14[%get3A_45, %get3A_46] {strides = array<i32>} : memref<128x128xf32, #tpu.memory_space<vmem>>, vector<1x16xf32>,
      %get3A_48 = vector.shape_cast %get3A_47 : vector<1x16xf32> to vector<16xf32>
      %mul3A_49 = arith.mulf %get3A_44, %get3A_48 : vector<16xf32>
      %swap3A_50 = arith.index_cast %scan3A_28 : i32 to index
      %swap3A_51 = arith.constant 16 : index
      %swap3A_52 = tpu.vector_load %arg13[%swap3A_50, %swap3A_51] {strides = array<i32>} : memref<128x128xf32, #tpu.memory_space<vmem>>, vector<1x16xf32>,
      %swap3A_53 = vector.shape_cast %swap3A_52 : vector<1x16xf32> to vector<16xf32>
      %swap3A_54 = vector.shape_cast %mul3A_49 : vector<16xf32> to vector<1x16xf32>
      tpu.vector_store %arg13[%swap3A_50, %swap3A_51], %swap3A_54 {strides = array<i32>} : memref<128x128xf32, #tpu.memory_space<vmem>>, vector<1x16xf32>,
      %get3A_55 = arith.index_cast %scan3A_28 : i32 to index
      %get3A_56 = arith.constant 32 : index
      %get3A_57 = tpu.vector_load %arg13[%get3A_55, %get3A_56] {strides = array<i32>} : memref<128x128xf32, #tpu.memory_space<vmem>>, vector<1x16xf32>,
      %get3A_58 = vector.shape_cast %get3A_57 : vector<1x16xf32> to vector<16xf32>
      %get3A_59 = arith.index_cast %scan3A_28 : i32 to index
      %get3A_60 = arith.constant 32 : index
      %get3A_61 = tpu.vector_load %arg14[%get3A_59, %get3A_60] {strides = array<i32>} : memref<128x128xf32, #tpu.memory_space<vmem>>, vector<1x16xf32>,
      %get3A_62 = vector.shape_cast %get3A_61 : vector<1x16xf32> to vector<16xf32>
      %mul3A_63 = arith.mulf %get3A_58, %get3A_62 : vector<16xf32>
      %swap3A_64 = arith.index_cast %scan3A_28 : i32 to index
      %swap3A_65 = arith.constant 32 : index
      %swap3A_66 = tpu.vector_load %arg13[%swap3A_64, %swap3A_65] {strides = array<i32>} : memref<128x128xf32, #tpu.memory_space<vmem>>, vector<1x16xf32>,
      %swap3A_67 = vector.shape_cast %swap3A_66 : vector<1x16xf32> to vector<16xf32>
      %swap3A_68 = vector.shape_cast %mul3A_63 : vector<16xf32> to vector<1x16xf32>
      tpu.vector_store %arg13[%swap3A_64, %swap3A_65], %swap3A_68 {strides = array<i32>} : memref<128x128xf32, #tpu.memory_space<vmem>>, vector<1x16xf32>,
      %get3A_69 = arith.index_cast %scan3A_28 : i32 to index
      %get3A_70 = arith.constant 48 : index
      %get3A_71 = tpu.vector_load %arg13[%get3A_69, %get3A_70] {strides = array<i32>} : memref<128x128xf32, #tpu.memory_space<vmem>>, vector<1x16xf32>,
      %get3A_72 = vector.shape_cast %get3A_71 : vector<1x16xf32> to vector<16xf32>
      %get3A_73 = arith.index_cast %scan3A_28 : i32 to index
      %get3A_74 = arith.constant 48 : index
      %get3A_75 = tpu.vector_load %arg14[%get3A_73, %get3A_74] {strides = array<i32>} : memref<128x128xf32, #tpu.memory_space<vmem>>, vector<1x16xf32>,
      %get3A_76 = vector.shape_cast %get3A_75 : vector<1x16xf32> to vector<16xf32>
      %mul3A_77 = arith.mulf %get3A_72, %get3A_76 : vector<16xf32>
      %swap3A_78 = arith.index_cast %scan3A_28 : i32 to index
      %swap3A_79 = arith.constant 48 : index
      %swap3A_80 = tpu.vector_load %arg13[%swap3A_78, %swap3A_79] {strides = array<i32>} : memref<128x128xf32, #tpu.memory_space<vmem>>, vector<1x16xf32>,
      %swap3A_81 = vector.shape_cast %swap3A_80 : vector<1x16xf32> to vector<16xf32>
      %swap3A_82 = vector.shape_cast %mul3A_77 : vector<16xf32> to vector<1x16xf32>
      tpu.vector_store %arg13[%swap3A_78, %swap3A_79], %swap3A_82 {strides = array<i32>} : memref<128x128xf32, #tpu.memory_space<vmem>>, vector<1x16xf32>,
      %get3A_83 = arith.index_cast %scan3A_28 : i32 to index
      %get3A_84 = arith.constant 64 : index
      %get3A_85 = tpu.vector_load %arg13[%get3A_83, %get3A_84] {strides = array<i32>} : memref<128x128xf32, #tpu.memory_space<vmem>>, vector<1x16xf32>,
      %get3A_86 = vector.shape_cast %get3A_85 : vector<1x16xf32> to vector<16xf32>
      %get3A_87 = arith.index_cast %scan3A_28 : i32 to index
      %get3A_88 = arith.constant 64 : index
      %get3A_89 = tpu.vector_load %arg14[%get3A_87, %get3A_88] {strides = array<i32>} : memref<128x128xf32, #tpu.memory_space<vmem>>, vector<1x16xf32>,
      %get3A_90 = vector.shape_cast %get3A_89 : vector<1x16xf32> to vector<16xf32>
      %mul3A_91 = arith.mulf %get3A_86, %get3A_90 : vector<16xf32>
      %swap3A_92 = arith.index_cast %scan3A_28 : i32 to index
      %swap3A_93 = arith.constant 64 : index
      %swap3A_94 = tpu.vector_load %arg13[%swap3A_92, %swap3A_93] {strides = array<i32>} : memref<128x128xf32, #tpu.memory_space<vmem>>, vector<1x16xf32>,
      %swap3A_95 = vector.shape_cast %swap3A_94 : vector<1x16xf32> to vector<16xf32>
      %swap3A_96 = vector.shape_cast %mul3A_91 : vector<16xf32> to vector<1x16xf32>
      tpu.vector_store %arg13[%swap3A_92, %swap3A_93], %swap3A_96 {strides = array<i32>} : memref<128x128xf32, #tpu.memory_space<vmem>>, vector<1x16xf32>,
      %get3A_97 = arith.index_cast %scan3A_28 : i32 to index
      %get3A_98 = arith.constant 80 : index
      %get3A_99 = tpu.vector_load %arg13[%get3A_97, %get3A_98] {strides = array<i32>} : memref<128x128xf32, #tpu.memory_space<vmem>>, vector<1x16xf32>,
      %get3A_100 = vector.shape_cast %get3A_99 : vector<1x16xf32> to vector<16xf32>
      %get3A_101 = arith.index_cast %scan3A_28 : i32 to index
      %get3A_102 = arith.constant 80 : index
      %get3A_103 = tpu.vector_load %arg14[%get3A_101, %get3A_102] {strides = array<i32>} : memref<128x128xf32, #tpu.memory_space<vmem>>, vector<1x16xf32>,
      %get3A_104 = vector.shape_cast %get3A_103 : vector<1x16xf32> to vector<16xf32>
      %mul3A_105 = arith.mulf %get3A_100, %get3A_104 : vector<16xf32>
      %swap3A_106 = arith.index_cast %scan3A_28 : i32 to index
      %swap3A_107 = arith.constant 80 : index
      %swap3A_108 = tpu.vector_load %arg13[%swap3A_106, %swap3A_107] {strides = array<i32>} : memref<128x128xf32, #tpu.memory_space<vmem>>, vector<1x16xf32>,
      %swap3A_109 = vector.shape_cast %swap3A_108 : vector<1x16xf32> to vector<16xf32>
      %swap3A_110 = vector.shape_cast %mul3A_105 : vector<16xf32> to vector<1x16xf32>
      tpu.vector_store %arg13[%swap3A_106, %swap3A_107], %swap3A_110 {strides = array<i32>} : memref<128x128xf32, #tpu.memory_space<vmem>>, vector<1x16xf32>,
      %get3A_111 = arith.index_cast %scan3A_28 : i32 to index
      %get3A_112 = arith.constant 96 : index
      %get3A_113 = tpu.vector_load %arg13[%get3A_111, %get3A_112] {strides = array<i32>} : memref<128x128xf32, #tpu.memory_space<vmem>>, vector<1x16xf32>,
      %get3A_114 = vector.shape_cast %get3A_113 : vector<1x16xf32> to vector<16xf32>
      %get3A_115 = arith.index_cast %scan3A_28 : i32 to index
      %get3A_116 = arith.constant 96 : index
      %get3A_117 = tpu.vector_load %arg14[%get3A_115, %get3A_116] {strides = array<i32>} : memref<128x128xf32, #tpu.memory_space<vmem>>, vector<1x16xf32>,
      %get3A_118 = vector.shape_cast %get3A_117 : vector<1x16xf32> to vector<16xf32>
      %mul3A_119 = arith.mulf %get3A_114, %get3A_118 : vector<16xf32>
      %swap3A_120 = arith.index_cast %scan3A_28 : i32 to index
      %swap3A_121 = arith.constant 96 : index
      %swap3A_122 = tpu.vector_load %arg13[%swap3A_120, %swap3A_121] {strides = array<i32>} : memref<128x128xf32, #tpu.memory_space<vmem>>, vector<1x16xf32>,
      %swap3A_123 = vector.shape_cast %swap3A_122 : vector<1x16xf32> to vector<16xf32>
      %swap3A_124 = vector.shape_cast %mul3A_119 : vector<16xf32> to vector<1x16xf32>
      tpu.vector_store %arg13[%swap3A_120, %swap3A_121], %swap3A_124 {strides = array<i32>} : memref<128x128xf32, #tpu.memory_space<vmem>>, vector<1x16xf32>,
      %get3A_125 = arith.index_cast %scan3A_28 : i32 to index
      %get3A_126 = arith.constant 112 : index
      %get3A_127 = tpu.vector_load %arg13[%get3A_125, %get3A_126] {strides = array<i32>} : memref<128x128xf32, #tpu.memory_space<vmem>>, vector<1x16xf32>,
      %get3A_128 = vector.shape_cast %get3A_127 : vector<1x16xf32> to vector<16xf32>
      %get3A_129 = arith.index_cast %scan3A_28 : i32 to index
      %get3A_130 = arith.constant 112 : index
      %get3A_131 = tpu.vector_load %arg14[%get3A_129, %get3A_130] {strides = array<i32>} : memref<128x128xf32, #tpu.memory_space<vmem>>, vector<1x16xf32>,
      %get3A_132 = vector.shape_cast %get3A_131 : vector<1x16xf32> to vector<16xf32>
      %mul3A_133 = arith.mulf %get3A_128, %get3A_132 : vector<16xf32>
      %swap3A_134 = arith.index_cast %scan3A_28 : i32 to index
      %swap3A_135 = arith.constant 112 : index
      %swap3A_136 = tpu.vector_load %arg13[%swap3A_134, %swap3A_135] {strides = array<i32>} : memref<128x128xf32, #tpu.memory_space<vmem>>, vector<1x16xf32>,
      %swap3A_137 = vector.shape_cast %swap3A_136 : vector<1x16xf32> to vector<16xf32>
      %swap3A_138 = vector.shape_cast %mul3A_133 : vector<16xf32> to vector<1x16xf32>
      tpu.vector_store %arg13[%swap3A_134, %swap3A_135], %swap3A_138 {strides = array<i32>} : memref<128x128xf32, #tpu.memory_space<vmem>>, vector<1x16xf32>,
    }
    %scan3A_27 = arith.constant 128 : i32
    "tpu.region"() ({
      %run_scoped3A = tpu.sem_alloc : memref<!tpu.dma_semaphore, #tpu.memory_space<semaphore_mem>>
      %dma_start3A_28 = arith.constant 0 : i32
      %dma_start3A_29 = tpu.memref_slice %arg8[%add3A_4, %dma_start3A_28] : memref<4096x128xf32, #tpu.memory_space<hbm>> -> memref<128x128xf32, #tpu.memory_space<hbm>>
      %dma_start3A_30 = arith.constant 0 : i32
      %dma_start3A_31 = tpu.memref_slice %arg8[%add3A_4, %dma_start3A_30] : memref<4096x128xf32, #tpu.memory_space<hbm>> -> memref<128x128xf32, #tpu.memory_space<hbm>>
      tpu.enqueue_dma source(%arg13 : memref<128x128xf32, #tpu.memory_space<vmem>>) target(%dma_start3A_31 : memref<128x128xf32, #tpu.memory_space<hbm>>) target_semaphore(%run_scoped3A : memref<!tpu.dma_semaphore, #tpu.memory_space<semaphore_mem>>)
      %dma_wait3A_32 = arith.constant 0 : i32
      %dma_wait3A_33 = tpu.memref_slice %arg8[%add3A_4, %dma_wait3A_32] : memref<4096x128xf32, #tpu.memory_space<hbm>> -> memref<128x128xf32, #tpu.memory_space<hbm>>
      %dma_wait3A_34 = arith.constant 0 : i32
      %dma_wait3A_35 = tpu.memref_slice %arg8[%add3A_4, %dma_wait3A_34] : memref<4096x128xf32, #tpu.memory_space<hbm>> -> memref<128x128xf32, #tpu.memory_space<hbm>>
      tpu.wait_dma2 semaphore(%run_scoped3A : memref<!tpu.dma_semaphore, #tpu.memory_space<semaphore_mem>>) src(%arg13 : memref<128x128xf32, #tpu.memory_space<vmem>>) dst(%dma_wait3A_35 : memref<128x128xf32, #tpu.memory_space<hbm>>)
      tpu.yield
    }) : () -> ()
    "tpu.region"() ({
      %run_scoped3A = tpu.sem_alloc : memref<!tpu.dma_semaphore, #tpu.memory_space<semaphore_mem>>
      %dma_start3A_28 = tpu.memref_slice %arg9[%add3A_4] : memref<4096xf32, #tpu.memory_space<hbm>> -> memref<128xf32, #tpu.memory_space<hbm>>
      %dma_start3A_29 = tpu.memref_slice %arg9[%add3A_4] : memref<4096xf32, #tpu.memory_space<hbm>> -> memref<128xf32, #tpu.memory_space<hbm>>
      tpu.enqueue_dma source(%arg15 : memref<128xf32, #tpu.memory_space<vmem>>) target(%dma_start3A_29 : memref<128xf32, #tpu.memory_space<hbm>>) target_semaphore(%run_scoped3A : memref<!tpu.dma_semaphore, #tpu.memory_space<semaphore_mem>>)
      %dma_wait3A_30 = tpu.memref_slice %arg9[%add3A_4] : memref<4096xf32, #tpu.memory_space<hbm>> -> memref<128xf32, #tpu.memory_space<hbm>>
      %dma_wait3A_31 = tpu.memref_slice %arg9[%add3A_4] : memref<4096xf32, #tpu.memory_space<hbm>> -> memref<128xf32, #tpu.memory_space<hbm>>
      tpu.wait_dma2 semaphore(%run_scoped3A : memref<!tpu.dma_semaphore, #tpu.memory_space<semaphore_mem>>) src(%arg15 : memref<128xf32, #tpu.memory_space<vmem>>) dst(%dma_wait3A_31 : memref<128xf32, #tpu.memory_space<hbm>>)
      tpu.yield
    }) : () -> ()
    "tpu.region"() ({
      %run_scoped3A = tpu.sem_alloc : memref<!tpu.dma_semaphore, #tpu.memory_space<semaphore_mem>>
      %dma_start3A_28 = tpu.memref_slice %arg10[%add3A_4] : memref<4096xf32, #tpu.memory_space<hbm>> -> memref<128xf32, #tpu.memory_space<hbm>>
      %dma_start3A_29 = tpu.memref_slice %arg10[%add3A_4] : memref<4096xf32, #tpu.memory_space<hbm>> -> memref<128xf32, #tpu.memory_space<hbm>>
      tpu.enqueue_dma source(%arg16 : memref<128xf32, #tpu.memory_space<vmem>>) target(%dma_start3A_29 : memref<128xf32, #tpu.memory_space<hbm>>) target_semaphore(%run_scoped3A : memref<!tpu.dma_semaphore, #tpu.memory_space<semaphore_mem>>)
      %dma_wait3A_30 = tpu.memref_slice %arg10[%add3A_4] : memref<4096xf32, #tpu.memory_space<hbm>> -> memref<128xf32, #tpu.memory_space<hbm>>
      %dma_wait3A_31 = tpu.memref_slice %arg10[%add3A_4] : memref<4096xf32, #tpu.memory_space<hbm>> -> memref<128xf32, #tpu.memory_space<hbm>>
      tpu.wait_dma2 semaphore(%run_scoped3A : memref<!tpu.dma_semaphore, #tpu.memory_space<semaphore_mem>>) src(%arg16 : memref<128xf32, #tpu.memory_space<vmem>>) dst(%dma_wait3A_31 : memref<128xf32, #tpu.memory_space<hbm>>)
      tpu.yield
    }) : () -> ()
    return
  }
}

#map = affine_map<(d0, d1) -> (0)>
#map1 = affine_map<(d0, d1) -> (0, 0)>
module attributes {stable_mosaic.version = 14 : i64} {
  func.func @k(%arg0: i32, %arg1: i32, %arg2: memref<4096xi32, #tpu.memory_space<hbm>>, %arg3: memref<4096xi32, #tpu.memory_space<hbm>>, %arg4: memref<100000x128xf32, #tpu.memory_space<hbm>>, %arg5: memref<100000x128xf32, #tpu.memory_space<hbm>>, %arg6: memref<100000xf32, #tpu.memory_space<hbm>>, %arg7: memref<100000xf32, #tpu.memory_space<hbm>>, %arg8: memref<4096x128xf32, #tpu.memory_space<hbm>>, %arg9: memref<4096xf32, #tpu.memory_space<hbm>>, %arg10: memref<4096xf32, #tpu.memory_space<hbm>>, %arg11: memref<128xi32, #tpu.memory_space<vmem>>, %arg12: memref<128xi32, #tpu.memory_space<vmem>>, %arg13: memref<128x128xf32, #tpu.memory_space<vmem>>, %arg14: memref<128x128xf32, #tpu.memory_space<vmem>>, %arg15: memref<128xf32, #tpu.memory_space<vmem>>, %arg16: memref<128xf32, #tpu.memory_space<vmem>>, %arg17: memref<!tpu.dma_semaphore, #tpu.memory_space<semaphore_mem>>) attributes {dimension_semantics = [#tpu.dimension_semantics<core_parallel>, #tpu.dimension_semantics<subcore_parallel>], iteration_bounds = array<i64: 2, 16>, scalar_prefetch = 0 : i64, scratch_operands = 7 : i64, tpu.core_type = #tpu.core_type<sc_vector_subcore>, window_params = [{transform_indices = #map}, {transform_indices = #map}, {transform_indices = #map1}, {transform_indices = #map1}, {transform_indices = #map}, {transform_indices = #map}, {transform_indices = #map1}, {transform_indices = #map}, {transform_indices = #map}]} {
    %mul3A = arith.constant 2 : i32
    %mul3A_0 = arith.muli %arg1, %mul3A : i32
    %add3A = arith.addi %mul3A_0, %arg0 : i32
    %mul3A_1 = arith.constant 128 : i32
    %mul3A_2 = arith.muli %add3A, %mul3A_1 : i32
    %add3A_3 = arith.constant 0 : i32
    %add3A_4 = arith.addi %mul3A_2, %add3A_3 : i32
    "tpu.region"() ({
      %run_scoped3A = tpu.sem_alloc : memref<!tpu.dma_semaphore, #tpu.memory_space<semaphore_mem>>
      %dma_start3A_28 = tpu.memref_slice %arg2[%add3A_4] : memref<4096xi32, #tpu.memory_space<hbm>> -> memref<128xi32, #tpu.memory_space<hbm>>
      %dma_start3A_29 = tpu.memref_slice %arg2[%add3A_4] : memref<4096xi32, #tpu.memory_space<hbm>> -> memref<128xi32, #tpu.memory_space<hbm>>
      tpu.enqueue_dma source(%dma_start3A_29 : memref<128xi32, #tpu.memory_space<hbm>>) target(%arg11 : memref<128xi32, #tpu.memory_space<vmem>>) target_semaphore(%run_scoped3A : memref<!tpu.dma_semaphore, #tpu.memory_space<semaphore_mem>>)
      %dma_wait3A_30 = tpu.memref_slice %arg2[%add3A_4] : memref<4096xi32, #tpu.memory_space<hbm>> -> memref<128xi32, #tpu.memory_space<hbm>>
      %dma_wait3A_31 = tpu.memref_slice %arg2[%add3A_4] : memref<4096xi32, #tpu.memory_space<hbm>> -> memref<128xi32, #tpu.memory_space<hbm>>
      tpu.wait_dma2 semaphore(%run_scoped3A : memref<!tpu.dma_semaphore, #tpu.memory_space<semaphore_mem>>) src(%dma_wait3A_31 : memref<128xi32, #tpu.memory_space<hbm>>) dst(%arg11 : memref<128xi32, #tpu.memory_space<vmem>>)
      tpu.yield
    }) : () -> ()
    "tpu.region"() ({
      %run_scoped3A = tpu.sem_alloc : memref<!tpu.dma_semaphore, #tpu.memory_space<semaphore_mem>>
      %dma_start3A_28 = tpu.memref_slice %arg3[%add3A_4] : memref<4096xi32, #tpu.memory_space<hbm>> -> memref<128xi32, #tpu.memory_space<hbm>>
      %dma_start3A_29 = tpu.memref_slice %arg3[%add3A_4] : memref<4096xi32, #tpu.memory_space<hbm>> -> memref<128xi32, #tpu.memory_space<hbm>>
      tpu.enqueue_dma source(%dma_start3A_29 : memref<128xi32, #tpu.memory_space<hbm>>) target(%arg12 : memref<128xi32, #tpu.memory_space<vmem>>) target_semaphore(%run_scoped3A : memref<!tpu.dma_semaphore, #tpu.memory_space<semaphore_mem>>)
      %dma_wait3A_30 = tpu.memref_slice %arg3[%add3A_4] : memref<4096xi32, #tpu.memory_space<hbm>> -> memref<128xi32, #tpu.memory_space<hbm>>
      %dma_wait3A_31 = tpu.memref_slice %arg3[%add3A_4] : memref<4096xi32, #tpu.memory_space<hbm>> -> memref<128xi32, #tpu.memory_space<hbm>>
      tpu.wait_dma2 semaphore(%run_scoped3A : memref<!tpu.dma_semaphore, #tpu.memory_space<semaphore_mem>>) src(%dma_wait3A_31 : memref<128xi32, #tpu.memory_space<hbm>>) dst(%arg12 : memref<128xi32, #tpu.memory_space<vmem>>)
      tpu.yield
    }) : () -> ()
    %dma_start3A = arith.constant 0 : i32
    %dma_start3A_5 = arith.constant 0 : i32
    %dma_start3A_6 = tpu.memref_slice %arg4[%dma_start3A, %dma_start3A_5] : memref<100000x128xf32, #tpu.memory_space<hbm>> -> memref<100000x128xf32, #tpu.memory_space<hbm>>
    tpu.enqueue_indirect_dma source(%dma_start3A_6 : memref<100000x128xf32, #tpu.memory_space<hbm>>) target(%arg13 : memref<128x128xf32, #tpu.memory_space<vmem>>) offsets(%arg11 : memref<128xi32, #tpu.memory_space<vmem>>) semaphore(%arg17 : memref<!tpu.dma_semaphore, #tpu.memory_space<semaphore_mem>>)
    %dma_start3A_7 = arith.constant 0 : i32
    %dma_start3A_8 = arith.constant 0 : i32
    %dma_start3A_9 = tpu.memref_slice %arg5[%dma_start3A_7, %dma_start3A_8] : memref<100000x128xf32, #tpu.memory_space<hbm>> -> memref<100000x128xf32, #tpu.memory_space<hbm>>
    tpu.enqueue_indirect_dma source(%dma_start3A_9 : memref<100000x128xf32, #tpu.memory_space<hbm>>) target(%arg14 : memref<128x128xf32, #tpu.memory_space<vmem>>) offsets(%arg12 : memref<128xi32, #tpu.memory_space<vmem>>) semaphore(%arg17 : memref<!tpu.dma_semaphore, #tpu.memory_space<semaphore_mem>>)
    %dma_start3A_10 = arith.constant 0 : i32
    %dma_start3A_11 = tpu.memref_slice %arg6[%dma_start3A_10] : memref<100000xf32, #tpu.memory_space<hbm>> -> memref<100000xf32, #tpu.memory_space<hbm>>
    tpu.enqueue_indirect_dma source(%dma_start3A_11 : memref<100000xf32, #tpu.memory_space<hbm>>) target(%arg15 : memref<128xf32, #tpu.memory_space<vmem>>) offsets(%arg11 : memref<128xi32, #tpu.memory_space<vmem>>) semaphore(%arg17 : memref<!tpu.dma_semaphore, #tpu.memory_space<semaphore_mem>>)
    %dma_start3A_12 = arith.constant 0 : i32
    %dma_start3A_13 = tpu.memref_slice %arg7[%dma_start3A_12] : memref<100000xf32, #tpu.memory_space<hbm>> -> memref<100000xf32, #tpu.memory_space<hbm>>
    tpu.enqueue_indirect_dma source(%dma_start3A_13 : memref<100000xf32, #tpu.memory_space<hbm>>) target(%arg16 : memref<128xf32, #tpu.memory_space<vmem>>) offsets(%arg12 : memref<128xi32, #tpu.memory_space<vmem>>) semaphore(%arg17 : memref<!tpu.dma_semaphore, #tpu.memory_space<semaphore_mem>>)
    %dma_wait3A = arith.constant 0 : i32
    %dma_wait3A_14 = arith.constant 0 : i32
    %dma_wait3A_15 = tpu.memref_slice %arg4[%dma_wait3A, %dma_wait3A_14] : memref<100000x128xf32, #tpu.memory_space<hbm>> -> memref<100000x128xf32, #tpu.memory_space<hbm>>
    tpu.wait_indirect_dma semaphore(%arg17 : memref<!tpu.dma_semaphore, #tpu.memory_space<semaphore_mem>>) src(%dma_wait3A_15 : memref<100000x128xf32, #tpu.memory_space<hbm>>) dst(%arg13 : memref<128x128xf32, #tpu.memory_space<vmem>>)
    %dma_wait3A_16 = arith.constant 0 : i32
    %dma_wait3A_17 = arith.constant 0 : i32
    %dma_wait3A_18 = tpu.memref_slice %arg5[%dma_wait3A_16, %dma_wait3A_17] : memref<100000x128xf32, #tpu.memory_space<hbm>> -> memref<100000x128xf32, #tpu.memory_space<hbm>>
    tpu.wait_indirect_dma semaphore(%arg17 : memref<!tpu.dma_semaphore, #tpu.memory_space<semaphore_mem>>) src(%dma_wait3A_18 : memref<100000x128xf32, #tpu.memory_space<hbm>>) dst(%arg14 : memref<128x128xf32, #tpu.memory_space<vmem>>)
    %dma_wait3A_19 = arith.constant 0 : i32
    %dma_wait3A_20 = tpu.memref_slice %arg6[%dma_wait3A_19] : memref<100000xf32, #tpu.memory_space<hbm>> -> memref<100000xf32, #tpu.memory_space<hbm>>
    tpu.wait_indirect_dma semaphore(%arg17 : memref<!tpu.dma_semaphore, #tpu.memory_space<semaphore_mem>>) src(%dma_wait3A_20 : memref<100000xf32, #tpu.memory_space<hbm>>) dst(%arg15 : memref<128xf32, #tpu.memory_space<vmem>>)
    %dma_wait3A_21 = arith.constant 0 : i32
    %dma_wait3A_22 = tpu.memref_slice %arg7[%dma_wait3A_21] : memref<100000xf32, #tpu.memory_space<hbm>> -> memref<100000xf32, #tpu.memory_space<hbm>>
    tpu.wait_indirect_dma semaphore(%arg17 : memref<!tpu.dma_semaphore, #tpu.memory_space<semaphore_mem>>) src(%dma_wait3A_22 : memref<100000xf32, #tpu.memory_space<hbm>>) dst(%arg16 : memref<128xf32, #tpu.memory_space<vmem>>)
    %scan3A = arith.constant 0 : i32
    %scan3A_23 = arith.constant 0 : i32
    %scan3A_24 = arith.constant 128 : i32
    %scan3A_25 = arith.addi %scan3A_23, %scan3A_24 : i32
    %scan3A_26 = arith.constant 1 : i32
    scf.for %scan3A_28 = %scan3A_23 to %scan3A_25 step %scan3A_26  : i32 {
      %get3A = arith.index_cast %scan3A_28 : i32 to index
      %get3A_29 = arith.constant 0 : index
      %get3A_30 = tpu.vector_load %arg13[%get3A, %get3A_29] {strides = array<i32>} : memref<128x128xf32, #tpu.memory_space<vmem>>, vector<1x16xf32>,
      %get3A_31 = vector.shape_cast %get3A_30 : vector<1x16xf32> to vector<16xf32>
      %get3A_32 = arith.index_cast %scan3A_28 : i32 to index
      %get3A_33 = arith.constant 0 : index
      %get3A_34 = tpu.vector_load %arg14[%get3A_32, %get3A_33] {strides = array<i32>} : memref<128x128xf32, #tpu.memory_space<vmem>>, vector<1x16xf32>,
      %get3A_35 = vector.shape_cast %get3A_34 : vector<1x16xf32> to vector<16xf32>
      %mul3A_36 = arith.mulf %get3A_31, %get3A_35 : vector<16xf32>
      %swap3A = arith.index_cast %scan3A_28 : i32 to index
      %swap3A_37 = arith.constant 0 : index
      %swap3A_38 = tpu.vector_load %arg13[%swap3A, %swap3A_37] {strides = array<i32>} : memref<128x128xf32, #tpu.memory_space<vmem>>, vector<1x16xf32>,
      %swap3A_39 = vector.shape_cast %swap3A_38 : vector<1x16xf32> to vector<16xf32>
      %swap3A_40 = vector.shape_cast %mul3A_36 : vector<16xf32> to vector<1x16xf32>
      tpu.vector_store %arg13[%swap3A, %swap3A_37], %swap3A_40 {strides = array<i32>} : memref<128x128xf32, #tpu.memory_space<vmem>>, vector<1x16xf32>,
      %get3A_41 = arith.index_cast %scan3A_28 : i32 to index
      %get3A_42 = arith.constant 16 : index
      %get3A_43 = tpu.vector_load %arg13[%get3A_41, %get3A_42] {strides = array<i32>} : memref<128x128xf32, #tpu.memory_space<vmem>>, vector<1x16xf32>,
      %get3A_44 = vector.shape_cast %get3A_43 : vector<1x16xf32> to vector<16xf32>
      %get3A_45 = arith.index_cast %scan3A_28 : i32 to index
      %get3A_46 = arith.constant 16 : index
      %get3A_47 = tpu.vector_load %arg14[%get3A_45, %get3A_46] {strides = array<i32>} : memref<128x128xf32, #tpu.memory_space<vmem>>, vector<1x16xf32>,
      %get3A_48 = vector.shape_cast %get3A_47 : vector<1x16xf32> to vector<16xf32>
      %mul3A_49 = arith.mulf %get3A_44, %get3A_48 : vector<16xf32>
      %swap3A_50 = arith.index_cast %scan3A_28 : i32 to index
      %swap3A_51 = arith.constant 16 : index
      %swap3A_52 = tpu.vector_load %arg13[%swap3A_50, %swap3A_51] {strides = array<i32>} : memref<128x128xf32, #tpu.memory_space<vmem>>, vector<1x16xf32>,
      %swap3A_53 = vector.shape_cast %swap3A_52 : vector<1x16xf32> to vector<16xf32>
      %swap3A_54 = vector.shape_cast %mul3A_49 : vector<16xf32> to vector<1x16xf32>
      tpu.vector_store %arg13[%swap3A_50, %swap3A_51], %swap3A_54 {strides = array<i32>} : memref<128x128xf32, #tpu.memory_space<vmem>>, vector<1x16xf32>,
      %get3A_55 = arith.index_cast %scan3A_28 : i32 to index
      %get3A_56 = arith.constant 32 : index
      %get3A_57 = tpu.vector_load %arg13[%get3A_55, %get3A_56] {strides = array<i32>} : memref<128x128xf32, #tpu.memory_space<vmem>>, vector<1x16xf32>,
      %get3A_58 = vector.shape_cast %get3A_57 : vector<1x16xf32> to vector<16xf32>
      %get3A_59 = arith.index_cast %scan3A_28 : i32 to index
      %get3A_60 = arith.constant 32 : index
      %get3A_61 = tpu.vector_load %arg14[%get3A_59, %get3A_60] {strides = array<i32>} : memref<128x128xf32, #tpu.memory_space<vmem>>, vector<1x16xf32>,
      %get3A_62 = vector.shape_cast %get3A_61 : vector<1x16xf32> to vector<16xf32>
      %mul3A_63 = arith.mulf %get3A_58, %get3A_62 : vector<16xf32>
      %swap3A_64 = arith.index_cast %scan3A_28 : i32 to index
      %swap3A_65 = arith.constant 32 : index
      %swap3A_66 = tpu.vector_load %arg13[%swap3A_64, %swap3A_65] {strides = array<i32>} : memref<128x128xf32, #tpu.memory_space<vmem>>, vector<1x16xf32>,
      %swap3A_67 = vector.shape_cast %swap3A_66 : vector<1x16xf32> to vector<16xf32>
      %swap3A_68 = vector.shape_cast %mul3A_63 : vector<16xf32> to vector<1x16xf32>
      tpu.vector_store %arg13[%swap3A_64, %swap3A_65], %swap3A_68 {strides = array<i32>} : memref<128x128xf32, #tpu.memory_space<vmem>>, vector<1x16xf32>,
      %get3A_69 = arith.index_cast %scan3A_28 : i32 to index
      %get3A_70 = arith.constant 48 : index
      %get3A_71 = tpu.vector_load %arg13[%get3A_69, %get3A_70] {strides = array<i32>} : memref<128x128xf32, #tpu.memory_space<vmem>>, vector<1x16xf32>,
      %get3A_72 = vector.shape_cast %get3A_71 : vector<1x16xf32> to vector<16xf32>
      %get3A_73 = arith.index_cast %scan3A_28 : i32 to index
      %get3A_74 = arith.constant 48 : index
      %get3A_75 = tpu.vector_load %arg14[%get3A_73, %get3A_74] {strides = array<i32>} : memref<128x128xf32, #tpu.memory_space<vmem>>, vector<1x16xf32>,
      %get3A_76 = vector.shape_cast %get3A_75 : vector<1x16xf32> to vector<16xf32>
      %mul3A_77 = arith.mulf %get3A_72, %get3A_76 : vector<16xf32>
      %swap3A_78 = arith.index_cast %scan3A_28 : i32 to index
      %swap3A_79 = arith.constant 48 : index
      %swap3A_80 = tpu.vector_load %arg13[%swap3A_78, %swap3A_79] {strides = array<i32>} : memref<128x128xf32, #tpu.memory_space<vmem>>, vector<1x16xf32>,
      %swap3A_81 = vector.shape_cast %swap3A_80 : vector<1x16xf32> to vector<16xf32>
      %swap3A_82 = vector.shape_cast %mul3A_77 : vector<16xf32> to vector<1x16xf32>
      tpu.vector_store %arg13[%swap3A_78, %swap3A_79], %swap3A_82 {strides = array<i32>} : memref<128x128xf32, #tpu.memory_space<vmem>>, vector<1x16xf32>,
      %get3A_83 = arith.index_cast %scan3A_28 : i32 to index
      %get3A_84 = arith.constant 64 : index
      %get3A_85 = tpu.vector_load %arg13[%get3A_83, %get3A_84] {strides = array<i32>} : memref<128x128xf32, #tpu.memory_space<vmem>>, vector<1x16xf32>,
      %get3A_86 = vector.shape_cast %get3A_85 : vector<1x16xf32> to vector<16xf32>
      %get3A_87 = arith.index_cast %scan3A_28 : i32 to index
      %get3A_88 = arith.constant 64 : index
      %get3A_89 = tpu.vector_load %arg14[%get3A_87, %get3A_88] {strides = array<i32>} : memref<128x128xf32, #tpu.memory_space<vmem>>, vector<1x16xf32>,
      %get3A_90 = vector.shape_cast %get3A_89 : vector<1x16xf32> to vector<16xf32>
      %mul3A_91 = arith.mulf %get3A_86, %get3A_90 : vector<16xf32>
      %swap3A_92 = arith.index_cast %scan3A_28 : i32 to index
      %swap3A_93 = arith.constant 64 : index
      %swap3A_94 = tpu.vector_load %arg13[%swap3A_92, %swap3A_93] {strides = array<i32>} : memref<128x128xf32, #tpu.memory_space<vmem>>, vector<1x16xf32>,
      %swap3A_95 = vector.shape_cast %swap3A_94 : vector<1x16xf32> to vector<16xf32>
      %swap3A_96 = vector.shape_cast %mul3A_91 : vector<16xf32> to vector<1x16xf32>
      tpu.vector_store %arg13[%swap3A_92, %swap3A_93], %swap3A_96 {strides = array<i32>} : memref<128x128xf32, #tpu.memory_space<vmem>>, vector<1x16xf32>,
      %get3A_97 = arith.index_cast %scan3A_28 : i32 to index
      %get3A_98 = arith.constant 80 : index
      %get3A_99 = tpu.vector_load %arg13[%get3A_97, %get3A_98] {strides = array<i32>} : memref<128x128xf32, #tpu.memory_space<vmem>>, vector<1x16xf32>,
      %get3A_100 = vector.shape_cast %get3A_99 : vector<1x16xf32> to vector<16xf32>
      %get3A_101 = arith.index_cast %scan3A_28 : i32 to index
      %get3A_102 = arith.constant 80 : index
      %get3A_103 = tpu.vector_load %arg14[%get3A_101, %get3A_102] {strides = array<i32>} : memref<128x128xf32, #tpu.memory_space<vmem>>, vector<1x16xf32>,
      %get3A_104 = vector.shape_cast %get3A_103 : vector<1x16xf32> to vector<16xf32>
      %mul3A_105 = arith.mulf %get3A_100, %get3A_104 : vector<16xf32>
      %swap3A_106 = arith.index_cast %scan3A_28 : i32 to index
      %swap3A_107 = arith.constant 80 : index
      %swap3A_108 = tpu.vector_load %arg13[%swap3A_106, %swap3A_107] {strides = array<i32>} : memref<128x128xf32, #tpu.memory_space<vmem>>, vector<1x16xf32>,
      %swap3A_109 = vector.shape_cast %swap3A_108 : vector<1x16xf32> to vector<16xf32>
      %swap3A_110 = vector.shape_cast %mul3A_105 : vector<16xf32> to vector<1x16xf32>
      tpu.vector_store %arg13[%swap3A_106, %swap3A_107], %swap3A_110 {strides = array<i32>} : memref<128x128xf32, #tpu.memory_space<vmem>>, vector<1x16xf32>,
      %get3A_111 = arith.index_cast %scan3A_28 : i32 to index
      %get3A_112 = arith.constant 96 : index
      %get3A_113 = tpu.vector_load %arg13[%get3A_111, %get3A_112] {strides = array<i32>} : memref<128x128xf32, #tpu.memory_space<vmem>>, vector<1x16xf32>,
      %get3A_114 = vector.shape_cast %get3A_113 : vector<1x16xf32> to vector<16xf32>
      %get3A_115 = arith.index_cast %scan3A_28 : i32 to index
      %get3A_116 = arith.constant 96 : index
      %get3A_117 = tpu.vector_load %arg14[%get3A_115, %get3A_116] {strides = array<i32>} : memref<128x128xf32, #tpu.memory_space<vmem>>, vector<1x16xf32>,
      %get3A_118 = vector.shape_cast %get3A_117 : vector<1x16xf32> to vector<16xf32>
      %mul3A_119 = arith.mulf %get3A_114, %get3A_118 : vector<16xf32>
      %swap3A_120 = arith.index_cast %scan3A_28 : i32 to index
      %swap3A_121 = arith.constant 96 : index
      %swap3A_122 = tpu.vector_load %arg13[%swap3A_120, %swap3A_121] {strides = array<i32>} : memref<128x128xf32, #tpu.memory_space<vmem>>, vector<1x16xf32>,
      %swap3A_123 = vector.shape_cast %swap3A_122 : vector<1x16xf32> to vector<16xf32>
      %swap3A_124 = vector.shape_cast %mul3A_119 : vector<16xf32> to vector<1x16xf32>
      tpu.vector_store %arg13[%swap3A_120, %swap3A_121], %swap3A_124 {strides = array<i32>} : memref<128x128xf32, #tpu.memory_space<vmem>>, vector<1x16xf32>,
      %get3A_125 = arith.index_cast %scan3A_28 : i32 to index
      %get3A_126 = arith.constant 112 : index
      %get3A_127 = tpu.vector_load %arg13[%get3A_125, %get3A_126] {strides = array<i32>} : memref<128x128xf32, #tpu.memory_space<vmem>>, vector<1x16xf32>,
      %get3A_128 = vector.shape_cast %get3A_127 : vector<1x16xf32> to vector<16xf32>
      %get3A_129 = arith.index_cast %scan3A_28 : i32 to index
      %get3A_130 = arith.constant 112 : index
      %get3A_131 = tpu.vector_load %arg14[%get3A_129, %get3A_130] {strides = array<i32>} : memref<128x128xf32, #tpu.memory_space<vmem>>, vector<1x16xf32>,
      %get3A_132 = vector.shape_cast %get3A_131 : vector<1x16xf32> to vector<16xf32>
      %mul3A_133 = arith.mulf %get3A_128, %get3A_132 : vector<16xf32>
      %swap3A_134 = arith.index_cast %scan3A_28 : i32 to index
      %swap3A_135 = arith.constant 112 : index
      %swap3A_136 = tpu.vector_load %arg13[%swap3A_134, %swap3A_135] {strides = array<i32>} : memref<128x128xf32, #tpu.memory_space<vmem>>, vector<1x16xf32>,
      %swap3A_137 = vector.shape_cast %swap3A_136 : vector<1x16xf32> to vector<16xf32>
      %swap3A_138 = vector.shape_cast %mul3A_133 : vector<16xf32> to vector<1x16xf32>
      tpu.vector_store %arg13[%swap3A_134, %swap3A_135], %swap3A_138 {strides = array<i32>} : memref<128x128xf32, #tpu.memory_space<vmem>>, vector<1x16xf32>,
    }
    %scan3A_27 = arith.constant 128 : i32
    "tpu.region"() ({
      %run_scoped3A = tpu.sem_alloc : memref<!tpu.dma_semaphore, #tpu.memory_space<semaphore_mem>>
      %dma_start3A_28 = arith.constant 0 : i32
      %dma_start3A_29 = tpu.memref_slice %arg8[%add3A_4, %dma_start3A_28] : memref<4096x128xf32, #tpu.memory_space<hbm>> -> memref<128x128xf32, #tpu.memory_space<hbm>>
      %dma_start3A_30 = arith.constant 0 : i32
      %dma_start3A_31 = tpu.memref_slice %arg8[%add3A_4, %dma_start3A_30] : memref<4096x128xf32, #tpu.memory_space<hbm>> -> memref<128x128xf32, #tpu.memory_space<hbm>>
      tpu.enqueue_dma source(%arg13 : memref<128x128xf32, #tpu.memory_space<vmem>>) target(%dma_start3A_31 : memref<128x128xf32, #tpu.memory_space<hbm>>) target_semaphore(%run_scoped3A : memref<!tpu.dma_semaphore, #tpu.memory_space<semaphore_mem>>)
      %dma_wait3A_32 = arith.constant 0 : i32
      %dma_wait3A_33 = tpu.memref_slice %arg8[%add3A_4, %dma_wait3A_32] : memref<4096x128xf32, #tpu.memory_space<hbm>> -> memref<128x128xf32, #tpu.memory_space<hbm>>
      %dma_wait3A_34 = arith.constant 0 : i32
      %dma_wait3A_35 = tpu.memref_slice %arg8[%add3A_4, %dma_wait3A_34] : memref<4096x128xf32, #tpu.memory_space<hbm>> -> memref<128x128xf32, #tpu.memory_space<hbm>>
      tpu.wait_dma2 semaphore(%run_scoped3A : memref<!tpu.dma_semaphore, #tpu.memory_space<semaphore_mem>>) src(%arg13 : memref<128x128xf32, #tpu.memory_space<vmem>>) dst(%dma_wait3A_35 : memref<128x128xf32, #tpu.memory_space<hbm>>)
      tpu.yield
    }) : () -> ()
    "tpu.region"() ({
      %run_scoped3A = tpu.sem_alloc : memref<!tpu.dma_semaphore, #tpu.memory_space<semaphore_mem>>
      %dma_start3A_28 = tpu.memref_slice %arg9[%add3A_4] : memref<4096xf32, #tpu.memory_space<hbm>> -> memref<128xf32, #tpu.memory_space<hbm>>
      %dma_start3A_29 = tpu.memref_slice %arg9[%add3A_4] : memref<4096xf32, #tpu.memory_space<hbm>> -> memref<128xf32, #tpu.memory_space<hbm>>
      tpu.enqueue_dma source(%arg15 : memref<128xf32, #tpu.memory_space<vmem>>) target(%dma_start3A_29 : memref<128xf32, #tpu.memory_space<hbm>>) target_semaphore(%run_scoped3A : memref<!tpu.dma_semaphore, #tpu.memory_space<semaphore_mem>>)
      %dma_wait3A_30 = tpu.memref_slice %arg9[%add3A_4] : memref<4096xf32, #tpu.memory_space<hbm>> -> memref<128xf32, #tpu.memory_space<hbm>>
      %dma_wait3A_31 = tpu.memref_slice %arg9[%add3A_4] : memref<4096xf32, #tpu.memory_space<hbm>> -> memref<128xf32, #tpu.memory_space<hbm>>
      tpu.wait_dma2 semaphore(%run_scoped3A : memref<!tpu.dma_semaphore, #tpu.memory_space<semaphore_mem>>) src(%arg15 : memref<128xf32, #tpu.memory_space<vmem>>) dst(%dma_wait3A_31 : memref<128xf32, #tpu.memory_space<hbm>>)
      tpu.yield
    }) : () -> ()
    "tpu.region"() ({
      %run_scoped3A = tpu.sem_alloc : memref<!tpu.dma_semaphore, #tpu.memory_space<semaphore_mem>>
      %dma_start3A_28 = tpu.memref_slice %arg10[%add3A_4] : memref<4096xf32, #tpu.memory_space<hbm>> -> memref<128xf32, #tpu.memory_space<hbm>>
      %dma_start3A_29 = tpu.memref_slice %arg10[%add3A_4] : memref<4096xf32, #tpu.memory_space<hbm>> -> memref<128xf32, #tpu.memory_space<hbm>>
      tpu.enqueue_dma source(%arg16 : memref<128xf32, #tpu.memory_space<vmem>>) target(%dma_start3A_29 : memref<128xf32, #tpu.memory_space<hbm>>) target_semaphore(%run_scoped3A : memref<!tpu.dma_semaphore, #tpu.memory_space<semaphore_mem>>)
      %dma_wait3A_30 = tpu.memref_slice %arg10[%add3A_4] : memref<4096xf32, #tpu.memory_space<hbm>> -> memref<128xf32, #tpu.memory_space<hbm>>
      %dma_wait3A_31 = tpu.memref_slice %arg10[%add3A_4] : memref<4096xf32, #tpu.memory_space<hbm>> -> memref<128xf32, #tpu.memory_space<hbm>>
      tpu.wait_dma2 semaphore(%run_scoped3A : memref<!tpu.dma_semaphore, #tpu.memory_space<semaphore_mem>>) src(%arg16 : memref<128xf32, #tpu.memory_space<vmem>>) dst(%dma_wait3A_31 : memref<128xf32, #tpu.memory_space<hbm>>)
      tpu.yield
    }) : () -> ()
    return
  }
}

module attributes {stable_mosaic.version = 14 : i64} {
  func.func @body(%arg0: i32, %arg1: memref<1024x128xf32, #tpu.memory_space<vmem>>, %arg2: memref<1024x1xf32, #tpu.memory_space<vmem>>, %arg3: memref<1024x1xf32, #tpu.memory_space<vmem>>, %arg4: memref<1x1xf32, #tpu.memory_space<vmem>>, %arg5: memref<128x128xf32, #tpu.memory_space<vmem>>, %arg6: memref<1x128xf32, #tpu.memory_space<vmem>>, %arg7: memref<128x128xf32, #tpu.memory_space<vmem>>, %arg8: memref<1x128xf32, #tpu.memory_space<vmem>>, %arg9: memref<128x128xf32, #tpu.memory_space<vmem>>, %arg10: memref<1x128xf32, #tpu.memory_space<vmem>>, %arg11: memref<1x128xf32, #tpu.memory_space<vmem>>, %arg12: memref<1024x1xf32, #tpu.memory_space<vmem>>) attributes {dimension_semantics = [#tpu.dimension_semantics<arbitrary>], iteration_bounds = array<i64: 4>, scalar_prefetch = 0 : i64, scratch_operands = 0 : i64, tpu.core_type = #tpu.core_type<tc>, window_params = [{transform_indices = @transform_0, window_bounds = array<i64: 1024, 128>}, {transform_indices = @transform_1, window_bounds = array<i64: 1024, 1>}, {transform_indices = @transform_2, window_bounds = array<i64: 1024, 1>}, {pipeline_mode = #tpu.pipeline_mode<synchronous>, transform_indices = @transform_3, window_bounds = array<i64: 1, 1>}, {pipeline_mode = #tpu.pipeline_mode<synchronous>, transform_indices = @transform_4, window_bounds = array<i64: 128, 128>}, {pipeline_mode = #tpu.pipeline_mode<synchronous>, transform_indices = @transform_5, window_bounds = array<i64: 1, 128>}, {pipeline_mode = #tpu.pipeline_mode<synchronous>, transform_indices = @transform_6, window_bounds = array<i64: 128, 128>}, {pipeline_mode = #tpu.pipeline_mode<synchronous>, transform_indices = @transform_7, window_bounds = array<i64: 1, 128>}, {pipeline_mode = #tpu.pipeline_mode<synchronous>, transform_indices = @transform_8, window_bounds = array<i64: 128, 128>}, {pipeline_mode = #tpu.pipeline_mode<synchronous>, transform_indices = @transform_9, window_bounds = array<i64: 1, 128>}, {pipeline_mode = #tpu.pipeline_mode<synchronous>, transform_indices = @transform_10, window_bounds = array<i64: 1, 128>}, {transform_indices = @transform_11, window_bounds = array<i64: 1024, 1>}]} {
    %get3A = arith.constant 0 : index
    %get3A_0 = arith.constant 0 : index
    %get3A_1 = vector.load %arg1[%get3A, %get3A_0] : memref<1024x128xf32, #tpu.memory_space<vmem>>, vector<1024x128xf32>
    %get3A_2 = arith.constant 0 : index
    %get3A_3 = arith.constant 0 : index
    %get3A_4 = vector.load %arg5[%get3A_2, %get3A_3] : memref<128x128xf32, #tpu.memory_space<vmem>>, vector<128x128xf32>
    %dot_general3A = arith.constant dense<0.000000e+00> : vector<1024x128xf32>
    %dot_general3A_5 = tpu.matmul %get3A_1, %get3A_4, %dot_general3A {dimension_numbers = #tpu.dot_dimension_numbers<[1], [1], [0], [0], [0, 0, 1, 0], [], []>, transpose_lhs_hint = false} : vector<1024x128xf32>, vector<128x128xf32>, vector<1024x128xf32> -> vector<1024x128xf32>
    %get3A_6 = arith.constant 0 : index
    %get3A_7 = arith.constant 0 : index
    %get3A_8 = vector.load %arg6[%get3A_6, %get3A_7] : memref<1x128xf32, #tpu.memory_space<vmem>>, vector<1x128xf32>
    %add3A = vector.broadcast %get3A_8 : vector<1x128xf32> to vector<1024x128xf32>
    %add3A_9 = arith.addf %dot_general3A_5, %add3A : vector<1024x128xf32>
    %max3A = arith.constant 0.000000e+00 : f32
    %max3A_10 = vector.broadcast %max3A : f32 to vector<1024x128xf32>
    %max3A_11 = arith.maximumf %add3A_9, %max3A_10 : vector<1024x128xf32>
    %get3A_12 = arith.constant 0 : index
    %get3A_13 = arith.constant 0 : index
    %get3A_14 = vector.load %arg7[%get3A_12, %get3A_13] : memref<128x128xf32, #tpu.memory_space<vmem>>, vector<128x128xf32>
    %dot_general3A_15 = arith.constant dense<0.000000e+00> : vector<1024x128xf32>
    %dot_general3A_16 = tpu.matmul %max3A_11, %get3A_14, %dot_general3A_15 {dimension_numbers = #tpu.dot_dimension_numbers<[1], [1], [0], [0], [0, 0, 1, 0], [], []>, transpose_lhs_hint = false} : vector<1024x128xf32>, vector<128x128xf32>, vector<1024x128xf32> -> vector<1024x128xf32>
    %get3A_17 = arith.constant 0 : index
    %get3A_18 = arith.constant 0 : index
    %get3A_19 = vector.load %arg8[%get3A_17, %get3A_18] : memref<1x128xf32, #tpu.memory_space<vmem>>, vector<1x128xf32>
    %add3A_20 = vector.broadcast %get3A_19 : vector<1x128xf32> to vector<1024x128xf32>
    %add3A_21 = arith.addf %dot_general3A_16, %add3A_20 : vector<1024x128xf32>
    %max3A_22 = arith.constant 0.000000e+00 : f32
    %max3A_23 = vector.broadcast %max3A_22 : f32 to vector<1024x128xf32>
    %max3A_24 = arith.maximumf %add3A_21, %max3A_23 : vector<1024x128xf32>
    %get3A_25 = arith.constant 0 : index
    %get3A_26 = arith.constant 0 : index
    %get3A_27 = vector.load %arg9[%get3A_25, %get3A_26] : memref<128x128xf32, #tpu.memory_space<vmem>>, vector<128x128xf32>
    %dot_general3A_28 = arith.constant dense<0.000000e+00> : vector<1024x128xf32>
    %dot_general3A_29 = tpu.matmul %max3A_24, %get3A_27, %dot_general3A_28 {dimension_numbers = #tpu.dot_dimension_numbers<[1], [1], [0], [0], [0, 0, 1, 0], [], []>, transpose_lhs_hint = false} : vector<1024x128xf32>, vector<128x128xf32>, vector<1024x128xf32> -> vector<1024x128xf32>
    %get3A_30 = arith.constant 0 : index
    %get3A_31 = arith.constant 0 : index
    %get3A_32 = vector.load %arg10[%get3A_30, %get3A_31] : memref<1x128xf32, #tpu.memory_space<vmem>>, vector<1x128xf32>
    %add3A_33 = vector.broadcast %get3A_32 : vector<1x128xf32> to vector<1024x128xf32>
    %add3A_34 = arith.addf %dot_general3A_29, %add3A_33 : vector<1024x128xf32>
    %max3A_35 = arith.constant 0.000000e+00 : f32
    %max3A_36 = vector.broadcast %max3A_35 : f32 to vector<1024x128xf32>
    %max3A_37 = arith.maximumf %add3A_34, %max3A_36 : vector<1024x128xf32>
    %get3A_38 = arith.constant 0 : index
    %get3A_39 = arith.constant 0 : index
    %get3A_40 = vector.load %arg2[%get3A_38, %get3A_39] : memref<1024x1xf32, #tpu.memory_space<vmem>>, vector<1024x1xf32>
    %get3A_41 = arith.constant 0 : index
    %get3A_42 = arith.constant 0 : index
    %get3A_43 = vector.load %arg3[%get3A_41, %get3A_42] : memref<1024x1xf32, #tpu.memory_space<vmem>>, vector<1024x1xf32>
    %add3A_44 = arith.addf %get3A_40, %get3A_43 : vector<1024x1xf32>
    %get3A_45 = arith.constant 0 : index
    %get3A_46 = arith.constant 0 : index
    %get3A_47 = vector.load %arg4[%get3A_45, %get3A_46] : memref<1x1xf32, #tpu.memory_space<vmem>>, vector<1x1xf32>
    %add3A_48 = vector.broadcast %get3A_47 : vector<1x1xf32> to vector<1024x1xf32>
    %add3A_49 = arith.addf %add3A_44, %add3A_48 : vector<1024x1xf32>
    %add3A_50 = vector.broadcast %add3A_49 : vector<1024x1xf32> to vector<1024x128xf32>
    %add3A_51 = arith.addf %max3A_37, %add3A_50 : vector<1024x128xf32>
    %get3A_52 = arith.constant 0 : index
    %get3A_53 = arith.constant 0 : index
    %get3A_54 = vector.load %arg11[%get3A_52, %get3A_53] : memref<1x128xf32, #tpu.memory_space<vmem>>, vector<1x128xf32>
    %dot_general3A_55 = arith.constant dense<0.000000e+00> : vector<1024x1xf32>
    %dot_general3A_56 = tpu.matmul %add3A_51, %get3A_54, %dot_general3A_55 {dimension_numbers = #tpu.dot_dimension_numbers<[1], [1], [0], [0], [0, 0, 1, 0], [], []>, transpose_lhs_hint = false} : vector<1024x128xf32>, vector<1x128xf32>, vector<1024x1xf32> -> vector<1024x1xf32>
    %swap3A = arith.constant 0 : index
    %swap3A_57 = arith.constant 0 : index
    %swap3A_58 = vector.load %arg12[%swap3A, %swap3A_57] : memref<1024x1xf32, #tpu.memory_space<vmem>>, vector<1024x1xf32>
    tpu.vector_store %arg12[%swap3A, %swap3A_57], %dot_general3A_56 {strides = array<i32>} : memref<1024x1xf32, #tpu.memory_space<vmem>>, vector<1024x1xf32>,
    return
  }
  func.func @transform_0(%arg0: i32) -> (i32, i32) {
    %c0_i32 = arith.constant 0 : i32
    %c0_i32_0 = arith.constant 0 : i32
    return %arg0, %c0_i32 : i32, i32
  }
  func.func @transform_1(%arg0: i32) -> (i32, i32) {
    %c0_i32 = arith.constant 0 : i32
    %c0_i32_0 = arith.constant 0 : i32
    return %arg0, %c0_i32 : i32, i32
  }
  func.func @transform_2(%arg0: i32) -> (i32, i32) {
    %c0_i32 = arith.constant 0 : i32
    %c0_i32_0 = arith.constant 0 : i32
    return %arg0, %c0_i32 : i32, i32
  }
  func.func @transform_3(%arg0: i32) -> (i32, i32) {
    %c0_i32 = arith.constant 0 : i32
    %c0_i32_0 = arith.constant 0 : i32
    %c0_i32_1 = arith.constant 0 : i32
    return %c0_i32, %c0_i32_0 : i32, i32
  }
  func.func @transform_4(%arg0: i32) -> (i32, i32) {
    %c0_i32 = arith.constant 0 : i32
    %c0_i32_0 = arith.constant 0 : i32
    %c0_i32_1 = arith.constant 0 : i32
    return %c0_i32, %c0_i32_0 : i32, i32
  }
  func.func @transform_5(%arg0: i32) -> (i32, i32) {
    %c0_i32 = arith.constant 0 : i32
    %c0_i32_0 = arith.constant 0 : i32
    %c0_i32_1 = arith.constant 0 : i32
    return %c0_i32, %c0_i32_0 : i32, i32
  }
  func.func @transform_6(%arg0: i32) -> (i32, i32) {
    %c0_i32 = arith.constant 0 : i32
    %c0_i32_0 = arith.constant 0 : i32
    %c0_i32_1 = arith.constant 0 : i32
    return %c0_i32, %c0_i32_0 : i32, i32
  }
  func.func @transform_7(%arg0: i32) -> (i32, i32) {
    %c0_i32 = arith.constant 0 : i32
    %c0_i32_0 = arith.constant 0 : i32
    %c0_i32_1 = arith.constant 0 : i32
    return %c0_i32, %c0_i32_0 : i32, i32
  }
  func.func @transform_8(%arg0: i32) -> (i32, i32) {
    %c0_i32 = arith.constant 0 : i32
    %c0_i32_0 = arith.constant 0 : i32
    %c0_i32_1 = arith.constant 0 : i32
    return %c0_i32, %c0_i32_0 : i32, i32
  }
  func.func @transform_9(%arg0: i32) -> (i32, i32) {
    %c0_i32 = arith.constant 0 : i32
    %c0_i32_0 = arith.constant 0 : i32
    %c0_i32_1 = arith.constant 0 : i32
    return %c0_i32, %c0_i32_0 : i32, i32
  }
  func.func @transform_10(%arg0: i32) -> (i32, i32) {
    %c0_i32 = arith.constant 0 : i32
    %c0_i32_0 = arith.constant 0 : i32
    %c0_i32_1 = arith.constant 0 : i32
    return %c0_i32, %c0_i32_0 : i32, i32
  }
  func.func @transform_11(%arg0: i32) -> (i32, i32) {
    %c0_i32 = arith.constant 0 : i32
    %c0_i32_0 = arith.constant 0 : i32
    return %arg0, %c0_i32 : i32, i32
  }
}

</mosaic_0001>

<sc_bundles>
// kernel: kernel.10.cloned.1.call-start
scs
__scs_entry_jumppad:
0x0: {  	(pc) =	sbr.rel $0x88, $3  }
0x1: {  	(tag) =	ssettag $0x0;
	lr =	simm.s32 $0x1  }
0x2: {  	[smem:$0x3F93] =	sst lr;
	_ =	strace $0xD0000000  }
0x3: {  	_ = 	snop  }
0x4: {  	_ = 	snop  }
0x5: {  	_ = 	snop  }
0x6: {  	_ = 	snop  }
0x7: {  	_ = 	snop  }
__scs_overlays_trampoline_lowered:
0x8: {  	[smem:$0x3FA2] =	sst s0  }
0x9: {  	[smem:$0x3FA3] =	sst s1  }
0xa: {  	[smem:$0x3FA4] =	sst s2  }
0xb: {  	[smem:$0x3FA5] =	sst s3  }
0xc: {  	[smem:$0x3FA6] =	sst s4  }
0xd: {  	[smem:$0x3FA7] =	sst s5  }
0xe: {  	[smem:$0x3FA8] =	sst s6  }
0xf: {  	[smem:$0x3FA9] =	sst s7  }
0x10: {  	[smem:$0x3FAA] =	sst s8  }
0x11: {  	[smem:$0x3FAB] =	sst s9;
	s0 =	simm.s32 @!p0 $0x0  }
0x12: {  	s1 =	sld [smem:$0x3F91];
	s0 =	simm.s32 @p0 $0x1  }
0x13: {  	[smem:$0x3FAC] =	sst s0;
	s0 =	simm.s32 @!p1 $0x0  }
0x14: {  	s2 =	sld [smem:$0x3F90];
	s0 =	simm.s32 @p1 $0x1  }
0x15: {  	[smem:$0x3FAD] =	sst s0;
	s0 =	simm.s32 @!p2 $0x0  }
0x16: {  	s3 =	sld [smem:$0x3FDB];
	s0 =	simm.s32 @p2 $0x1  }
0x17: {  	s4 =	simm.s32 $0x1BF5;
	[smem:$0x3FAF] =	sst s0  }
0x18: {  	s0 =	sld [smem:$0x3F92];
	_ =	swait.ge [sflag:s4], $0x0  }
0x19: {  	s7 =	sld [smem:$0x3F93]  }
0x1a: {  	s8 =	sadd.s32 $0xFFFFE003, lr  }
0x1b: {  	s9 =	sadd.s32 $0xFFFFFEF7, lr;
	s5 =	simm.s32 $0xFFFFFFFF;
	p2 =	slt.u32 s8, $0xFFFFF086  }
0x1c: {  	p1 =	slt.u32 s9, $0xF7A;
	s5 =	simm.s32 @!p2 $0x0  }
0x1d: {  	s5 =	simm.s32 @p1 $0x1;
	p0 =	seq.s32 s7, s2  }
0x1e: {  	s7 =	smul.u32 @!p0 $0xF7A, s2;
	p2 =	seq.s32 @!p0 s5, $0x0  }
0x1f: {  	s9 =	smul.u32 $0xF7A, s1;
	s8 =	simm.s32 @!p0 $0x1BF5;
	p2 =	por !p2, p0  }
0x20: {  	[sflag:s8] =	ssyncset.s32 @!p0 $0xFFFFF086;
	s6 =	sadd.s32 @!p0 s3, s7;
	s7 =	simm.s32 @!p0 $0x108  }
0x21: {  	s3 =	sadd.s32 s3, s9;
	s6 =	sadd.s32 @!p0 $0x88, s6;
	s7 =	simm.s32 @p2 $0x1082  }
0x22: {  	[simem:s7], [sflag:s8] =	dma.local @!p0 [hbm:s6], $0xF7A  }
0x23: {  	s9 =	sor.u32 $0xD0000000, s2;
	s6 =	simm.s32 $0x108;
	_ =	swait.ge @!p0 [sflag:s8], $0x0  }
0x24: {  	s3 =	sadd.s32 $0x88, s3;
	s6 =	simm.s32 @!p1 $0x1082;
	[sflag:s4] =	ssyncset.s32 $0xFFFFF086  }
0x25: {  	[simem:s6], [sflag:s4] =	dma.local [hbm:s3], $0xF7A  }
0x26: {  	[smem:$0x3F93] =	sst s1;
	(tag) =	ssettag s2;
	_ =	strace s9  }
0x27: {  	s1 =	sld [smem:$0x3FA3]  }
0x28: {  	s2 =	sld [smem:$0x3FA4]  }
0x29: {  	s4 =	sld [smem:$0x3FA6]  }
0x2a: {  	p0 =	seq.s32 s5, $0x0;
	s5 =	sld [smem:$0x3FA7]  }
0x2b: {  	s6 =	sld [smem:$0x3FA8]  }
0x2c: {  	s7 =	sld [smem:$0x3FA9]  }
0x2d: {  	s3 =	simm.s32 $0x108;
	s8 =	sld [smem:$0x3FAA]  }
0x2e: {  	s3 =	simm.s32 @!p0 $0x1082;
	s9 =	sld [smem:$0x3FAB]  }
0x2f: {  	lr =	sadd.s32 s0, s3;
	s0 =	sld [smem:$0x3FA2]  }
0x30: {  	s3 =	sld [smem:$0x3FA5]  }
0x31: {  	[smem:$0x3FAE] =	sst s10  }
0x32: {  	s10 =	sld [smem:$0x3FAC];
	_ =	sdelay $0x3  }
0x33: {  	p0 =	seq.s32 s10, $0x1;
	s10 =	sld [smem:$0x3FAE];
	_ =	sdelay $0x3  }
0x34: {  	[smem:$0x3FAE] =	sst s10  }
0x35: {  	s10 =	sld [smem:$0x3FAD];
	_ =	sdelay $0x3  }
0x36: {  	p1 =	seq.s32 s10, $0x1;
	s10 =	sld [smem:$0x3FAE];
	_ =	sdelay $0x3  }
0x37: {  	[smem:$0x3FAE] =	sst s10  }
0x38: {  	s10 =	sld [smem:$0x3FAF]  }
0x39: {  	_ = 	snop;
	(pc) =	sbr.ind lr, $3  }
0x3a: {  	_ = 	snop  }
0x3b: {  	_ = 	snop  }
0x3c: {  	p2 =	seq.s32 s10, $0x1;
	s10 =	sld [smem:$0x3FAE]  }
0x3d: {  	_ =	shalt  }
0x3e: {  	_ =	shalt  }
0x3f: {  	_ =	shalt  }
0x40: {  	_ =	shalt  }
0x41: {  	_ =	shalt  }
0x42: {  	_ =	shalt  }
0x43: {  	_ =	shalt  }
0x44: {  	_ =	shalt  }
0x45: {  	_ =	shalt  }
0x46: {  	_ =	shalt  }
0x47: {  	_ =	shalt  }
0x48: {  	_ =	shalt  }
0x49: {  	_ =	shalt  }
0x4a: {  	_ =	shalt  }
0x4b: {  	_ =	shalt  }
0x4c: {  	_ =	shalt  }
0x4d: {  	_ =	shalt  }
0x4e: {  	_ =	shalt  }
0x4f: {  	_ =	shalt  }
0x50: {  	_ =	shalt  }
0x51: {  	_ =	shalt  }
0x52: {  	_ =	shalt  }
0x53: {  	_ =	shalt  }
0x54: {  	_ =	shalt  }
0x55: {  	_ =	shalt  }
0x56: {  	_ =	shalt  }
0x57: {  	_ =	shalt  }
0x58: {  	_ =	shalt  }
0x59: {  	_ =	shalt  }
0x5a: {  	_ =	shalt  }
0x5b: {  	_ =	shalt  }
0x5c: {  	_ =	shalt  }
0x5d: {  	_ =	shalt  }
0x5e: {  	_ =	shalt  }
0x5f: {  	_ =	shalt  }
0x60: {  	_ =	shalt  }
0x61: {  	_ =	shalt  }
0x62: {  	_ =	shalt  }
0x63: {  	_ =	shalt  }
0x64: {  	_ =	shalt  }
0x65: {  	_ =	shalt  }
0x66: {  	_ =	shalt  }
0x67: {  	_ =	shalt  }
0x68: {  	_ =	shalt  }
0x69: {  	_ =	shalt  }
0x6a: {  	_ =	shalt  }
0x6b: {  	_ =	shalt  }
0x6c: {  	_ =	shalt  }
0x6d: {  	_ =	shalt  }
0x6e: {  	_ =	shalt  }
0x6f: {  	_ =	shalt  }
0x70: {  	_ =	shalt  }
0x71: {  	_ =	shalt  }
0x72: {  	_ =	shalt  }
0x73: {  	_ =	shalt  }
0x74: {  	_ =	shalt  }
0x75: {  	_ =	shalt  }
0x76: {  	_ =	shalt  }
0x77: {  	_ =	shalt  }
0x78: {  	_ =	shalt  }
0x79: {  	_ =	shalt  }
0x7a: {  	_ =	shalt  }
0x7b: {  	_ =	shalt  }
0x7c: {  	_ =	shalt  }
0x7d: {  	_ =	shalt  }
0x7e: {  	_ =	shalt  }
0x7f: {  	_ =	shalt  }
0x80: {  	_ =	shalt  }
0x81: {  	_ =	shalt  }
0x82: {  	_ =	shalt  }
0x83: {  	_ =	shalt  }
0x84: {  	_ =	shalt  }
0x85: {  	_ =	shalt  }
0x86: {  	_ =	shalt  }
0x87: {  	_ =	shalt  }
.Lfunc_end0:
.L_simem_size_0:
called_computation_lowered:
.L_overlay_start_0:
0x88: {  	s2 =	sld [smem:$0x3FD9]  }
0x89: {  	s3 =	sld [smem:$0x3FFE];
	_ =	sdelay $0x1  }
0x8a: {  	s1 =	srdreg.scid  }
0x8b: {  	s0 =	sand.u32 $0x1, s1  }
0x8c: {  	s17 =	sshll.u32 s0, $0xA;
	s2 =	sadd.s32 s3, s2  }
0x8d: {  	s2 =	sadd.s32 s2, s17  }
0x8e: {  	[smem:$0x3FBA] =	sst s2  }
0x8f: {  	_ = 	snop  }
0x90: {  	s18 =	sld [smem:$0x3FC7]  }
0x91: {  	s4 =	sld [smem:$0x3FC6]  }
0x92: {  	s5 =	sld [smem:$0x3FD0];
	(tm) =	ssettm $0x1  }
0x93: {  	s19 =	sld [smem:$0x3FFB];
	_ =	sdelay $0x3  }
0x94: {  	_ =	strace s19  }
0x95: {  	s2 =	sld [smem:$0x3FFC];
	_ =	sdelay $0x3  }
0x96: {  	_ =	strace s2  }
0x97: {  	s2 =	sld [smem:$0x3FFD];
	_ =	sdelay $0x3  }
0x98: {  	_ =	strace s2  }
0x99: {  	_ =	strace $0x8FFFFFFF  }
0x9a: {  	s20 =	sld [smem:$0x3FDB];
	_ =	sdelay $0x1  }
0x9b: {  	s6 =	simm.s32 $_scs_section_size  }
0x9c: {  	s7 =	simm.s32 $_size__tile_overlayer_lowered;
	s8 =	simm.s32 $_tile_overlayer_lowered  }
0x9d: {  	s9 =	simm.s32 $0x1BFF;
	s21 =	sshll.u32 s8, $0x1;
	s6 =	sadd.s32 s6, s20  }
0x9e: {  	s22 =	simm.s32 $0x0;
	s7 =	sshll.u32 s7, $0x1;
	s8 =	sadd.s32 s21, s6  }
0x9f: {  	[timem:s22], [sflag:s9] =	dma.local [hbm:s8], s7  }
0xa0: {  	_ =	swait.ge [sflag:s9], s7  }
0xa1: {  	s7 =	ssub.s32 $0x0, s7;
	[sflag:s9] =	ssyncset.done $0x0  }
0xa2: {  	[sflag:s9] =	ssyncadd.s32 s7;
	_ =	sdelay $0x1  }
0xa3: {  	s23 =	simm.s32 $0x1B8B  }
0xa4: {  	_ =	swait.ge [sflag:s23], $0x1  }
0xa5: {  	[sflag:s23] =	ssyncset.done $0x0  }
0xa6: {  	[sflag:s23] =	ssyncadd.s32 $0xFFFFFFFF  }
0xa7: {  	s7 =	sld [smem:$0x0]  }
0xa8: {  	s8 =	sand.u32 $0xFFFFFFFE, s1  }
0xa9: {  	p0 =	sne.s32 s1, s8  }
0xaa: {  	s8 =	sshll.u32 @p0 s8, $0xE  }
0xab: {  	s8 =	sadd.s32 @p0 $0x11B8D, s8;
	s9 =	sshll.u32 @p0 s7, $0x11  }
0xac: {  	s8 =	sor.u32 @p0 s9, s8  }
0xad: {  	[sflag:s8] =	ssyncadd.remote.s32 @p0 $0x1;
	_ =	sdelay $0x1  }
0xae: {  	s8 =	simm.s32 @p0 $0x1B8D  }
0xaf: {  	_ =	swait.eq @p0 [sflag:s8], $0x1  }
0xb0: {  	[sflag:s8] =	ssyncadd.s32 @p0 $0xFFFFFFFF  }
0xb1: {  	s9 =	sshll.u32 @!p0 s1, $0xE  }
0xb2: {  	s9 =	sor.u32 @!p0 $0x4000, s9;
	s8 =	simm.s32 @!p0 $0x1B8D  }
0xb3: {  	s7 =	sshll.u32 @!p0 s7, $0x11;
	s9 =	sadd.s32 @!p0 $0x11B8D, s9;
	_ =	swait.eq @!p0 [sflag:s8], $0x1  }
0xb4: {  	s7 =	sor.u32 @!p0 s7, s9;
	[sflag:s8] =	ssyncadd.s32 @!p0 $0xFFFFFFFF  }
0xb5: {  	s25 =	simm.s32 $0x1B8E;
	s24 =	sld [smem:$0x3FFE];
	[sflag:s7] =	ssyncadd.remote.s32 @!p0 $0x1  }
0xb6: {  	s26 =	simm.s32 $execute0_lowered;
	[smem:$0x3FD2] =	sst s25  }
0xb7: {  	s8 =	sshll.u32 s26, $0x1;
	_ =	strace $0x8000004F;
	[dreg:$0x1] =	wrdreg $0xFFFFFFFF  }
0xb8: {  	s28 =	simm.s32 $_size_execute0_lowered;
	s6 =	sadd.s32 s6, s8;
	[dreg:$0x0] =	wrdreg $0x0  }
0xb9: {  	s8 =	sshll.u32 s28, $0x1;
	[dreg:$0x2] =	wrdreg s6  }
0xba: {  	[dreg:$0x3] =	wrdreg s8  }
0xbb: {  	[dreg:$0x4] =	wrdreg $0xC0  }
0xbc: {  	_ =	task [dreg:s22], $0x5FFFF  }
0xbd: {  	[dreg:$0x1] =	wrdreg $0xFFFFFFFF  }
0xbe: {  	[dreg:$0x0] =	wrdreg $0x60  }
0xbf: {  	[dreg:$0x2] =	wrdreg s24  }
0xc0: {  	[dreg:$0x3] =	wrdreg s5  }
0xc1: {  	[dreg:$0x4] =	wrdreg s18  }
0xc2: {  	[dreg:$0x5] =	wrdreg s4  }
0xc3: {  	[dreg:$0x6] =	wrdreg $0x9  }
0xc4: {  	_ =	task.clear_ibuf [dreg:s22], $0x7FFFF;
	_ =	strace $0x9000004F  }
0xc5: {  	s29 =	simm.s32 $0x9;
	_ =	strace $0x80000051  }
0xc6: {  	_ =	swait.ge [sflag:s29], $0x1  }
0xc7: {  	[sflag:s29] =	ssyncadd.s32 $0xFFFFFFFF  }
0xc8: {  	_ =	strace $0x90000051  }
0xc9: {  	_ =	sfence  }
0xca: {  	s30 =	sld [smem:$0x0];
	_ =	sdelay $0x2  }
0xcb: {  	s31 =	sshll.u32 s1, $0xD;
	s1 =	sshrl.u32 s1, $0x2  }
0xcc: {  	s4 =	sand.u32 $0x4000, s31;
	s1 =	sadd.s32 s1, s30  }
0xcd: {  	s0 =	sor.u32 s4, s0;
	s1 =	sshll.u32 s1, $0x11  }
0xce: {  	s0 =	sor.u32 s1, s0  }
0xcf: {  	s0 =	sadd.s32 $0x8F2B, s0  }
0xd0: {  	[sflag:s0] =	ssyncadd.remote.s32 $0x1  }
0xd1: {  	_ =	sfence.sel $0xFFFF  }
0xd2: {  	[dreg:$0x0] =	wrdreg $0xFFFFFFFF;
	(pc) =	sbr.abs _section_cstart, $3  }
0xd3: {  	[dreg:$0x1] =	wrdreg $0xFFFFFFFF  }
0xd4: {  	_ =	task.clear_ibuf [dreg:s22], $0x2FFFF;
	_ =	strace $0x9FFFFFFF  }
0xd5: {  	(tm) =	ssettm $0x7FFFFFFF  }
tec
execute0_lowered:
.L_overlay_start_1:
0x0: {  	(tag) =	ssettag $0x1  }
0x1: {  	s7 =	rddreg [dreg:$0x0]  }
0x2: {  	s8 =	rddreg [dreg:$0x1]  }
0x3: {  	s1 =	rddreg [dreg:$0x2]  }
0x4: {  	s2 =	rddreg [dreg:$0x3]  }
0x5: {  	s0 =	rddreg [dreg:$0x4];
	s4 =	simm.s32 $0x0;
	s5 =	srdreg.scid  }
0x6: {  	s3 =	stileid.u32;
	s14 =	simm.s32 $0x80;
	s15 =	simm.s32 $0x100  }
0x7: {  	s16 =	simm.s32 $0x4100;
	s17 =	simm.s32 $0x8100;
	s18 =	simm.s32 $0x8180  }
0x8: {  	s19 =	simm.s32 $0x1;
	s20 =	simm.s32 $0x0;
	[smem:$0x7FF] =	sst s4  }
0x9: {  	s9 =	sand.u32 $0x1, s5;
	s10 =	sshll.u32 s3, $0x8;
	s5 =	sadd.s32 $0x3600, s7  }
0xa: {  	s6 =	sadd.s32 $0x6800, s7;
	s11 =	sshll.u32 s9, $0x7;
	s9 =	ssub.s32 $0x2, s9  }
0xb: {  	_ =	strace $0x80000050;
	s10 =	sor.u32 s11, s10;
	s31 =	sshrl.u32 s9, $0x1  }
0xc: {  	s11 =	sshll.u32 s10, $0x4;
	s10 =	sshrl.u32 s10, $0x3;
	s13 =	ssub.s32 s9, s31  }
0xd: {  	s11 =	sadd.s32 s11, s7;
	s12 =	sadd.s32 s10, s7;
	s8 =	sadd.s32 s8, s10  }
0xe: {  	s7 =	sadd.s32 $0xA600, s12;
	s9 =	sadd.s32 $0x3B800, s11;
	s10 =	sadd.s32 $0x3B400, s12  }
0xf: {  	s11 =	sadd.s32 $0x3B600, s12;
	s12 =	smax.u32 s13, $0x1;
	s13 =	simm.s32 $0x2  }
.LBB2_1:
0x10: {  	[tilespmem:s4], [sflag:$0x2] =	stream.linear.gather [hbm4b:s7+s4], $0x80, $0x38;
	[tilespmem:$0x8200] =	vst v63  }
0x11: {  	_ =	swait.ge [sflag:s13], $0x80  }
0x12: {  	[sflag:s13] =	ssyncset.done $0x0  }
0x13: {  	[sflag:s13] =	ssyncadd.s32 $0xFFFFFF80  }
0x14: {  	[tilespmem:s14], [sflag:$0x2] =	stream.linear.gather [hbm4b:s8+s4], $0x80, $0x38;
	[tilespmem:$0x8200] =	vst v63  }
0x15: {  	_ =	swait.ge [sflag:s13], $0x80  }
0x16: {  	[sflag:s13] =	ssyncset.done $0x0  }
0x17: {  	[sflag:s13] =	ssyncadd.s32 $0xFFFFFF80  }
0x18: {  	[tilespmem:s15], [sflag:$0x1] =	stream.indirect.gather [hbm4b:s1+s14], $0x80, s4, s14, $0xb8;
	[tilespmem:$0x8200] =	vst v63  }
0x19: {  	_ = 	snop  }
0x1a: {  	[tilespmem:s16], [sflag:$0x1] =	stream.indirect.gather [hbm4b:s2+s14], $0x80, s14, s14, $0xb8;
	[tilespmem:$0x8200] =	vst v63  }
0x1b: {  	_ = 	snop  }
0x1c: {  	[tilespmem:s17], [sflag:$0x1] =	stream.indirect.gather [hbm4b:s5+s14], $0x1, s4, s14, $0xb8;
	[tilespmem:$0x8200] =	vst v63  }
0x1d: {  	_ = 	snop  }
0x1e: {  	[tilespmem:s18], [sflag:$0x1] =	stream.indirect.gather [hbm4b:s6+s14], $0x1, s14, s14, $0xb8;
	[tilespmem:$0x8200] =	vst v63  }
0x1f: {  	_ =	swait.ge [sflag:s19], $0x4000  }
0x20: {  	[sflag:s19] =	ssyncset.done $0x0  }
0x21: {  	[sflag:s19] =	ssyncadd.s32 $0xFFFFC000  }
0x22: {  	_ =	swait.ge [sflag:s19], $0x4000  }
0x23: {  	[sflag:s19] =	ssyncset.done $0x0  }
0x24: {  	[sflag:s19] =	ssyncadd.s32 $0xFFFFC000  }
0x25: {  	_ =	swait.ge [sflag:s19], $0x80  }
0x26: {  	[sflag:s19] =	ssyncset.done $0x0  }
0x27: {  	[sflag:s19] =	ssyncadd.s32 $0xFFFFFF80  }
0x28: {  	_ =	swait.ge [sflag:s19], $0x80  }
0x29: {  	[sflag:s19] =	ssyncset.done $0x0  }
0x2a: {  	s21 =	simm.s32 $0x0;
	[sflag:s19] =	ssyncadd.s32 $0xFFFFFF80  }
0x2b: {  	v7 =	vld [tilespmem:s21+$0x4100]  }
0x2c: {  	v11 =	vld [tilespmem:s21+$0x4110]  }
0x2d: {  	v5 =	vld [tilespmem:s21+$0x4120]  }
0x2e: {  	v4 =	vld [tilespmem:s21+$0x4130]  }
0x2f: {  	v3 =	vld [tilespmem:s21+$0x4140]  }
0x30: {  	v2 =	vld [tilespmem:s21+$0x4150]  }
0x31: {  	v1 =	vld [tilespmem:s21+$0x4160]  }
0x32: {  	v0 =	vld [tilespmem:s21+$0x4170]  }
0x33: {  	v12 =	vld [tilespmem:s21+$0x100]  }
0x34: {  	v13 =	vld [tilespmem:s21+$0x110]  }
0x35: {  	v10 =	vld [tilespmem:s21+$0x120]  }
0x36: {  	v9 =	vld [tilespmem:s21+$0x130]  }
0x37: {  	v8 =	vld [tilespmem:s21+$0x140]  }
0x38: {  	v6 =	vld [tilespmem:s21+$0x150];
	v12 =	vmul.f32 v7, v12  }
0x39: {  	s22 =	simm.s32 $0x200;
	v11 =	vmul.f32 v11, v13;
	v7 =	vld [tilespmem:s21+$0x160]  }
.LBB2_2:
0x3a: {  	s23 =	sshra.s32 s22, $0x2;
	p0 =	sne.s32 s22, $0xFE00;
	[tilespmem:s21+$0x100] =	vst v12;
	v5 =	vmul.f32 v5, v10;
	v10 =	vld [tilespmem:s21+$0x170]  }
0x3b: {  	v12 =	vld [tilespmem:s23+$0x4100];
	[tilespmem:s21+$0x110] =	vst v11;
	v4 =	vmul.f32 v4, v9  }
0x3c: {  	v11 =	vld [tilespmem:s23+$0x4110];
	[tilespmem:s21+$0x120] =	vst v5;
	v3 =	vmul.f32 v3, v8  }
0x3d: {  	v5 =	vld [tilespmem:s23+$0x4120];
	[tilespmem:s21+$0x130] =	vst v4;
	v2 =	vmul.f32 v2, v6  }
0x3e: {  	v4 =	vld [tilespmem:s23+$0x4130];
	[tilespmem:s21+$0x140] =	vst v3;
	v1 =	vmul.f32 v1, v7  }
0x3f: {  	v3 =	vld [tilespmem:s23+$0x4140];
	[tilespmem:s21+$0x150] =	vst v2;
	v0 =	vmul.f32 v0, v10  }
0x40: {  	v2 =	vld [tilespmem:s23+$0x4150];
	[tilespmem:s21+$0x160] =	vst v1  }
0x41: {  	v1 =	vld [tilespmem:s23+$0x4160];
	[tilespmem:s21+$0x170] =	vst v0;
	s21 =	smov.u32 s23  }
0x42: {  	v0 =	vld [tilespmem:s21+$0x4170]  }
0x43: {  	v6 =	vld [tilespmem:s21+$0x100]  }
0x44: {  	v7 =	vld [tilespmem:s21+$0x110]  }
.Ltmp0:
0x45: {  	v10 =	vld [tilespmem:s21+$0x120];
	(pc) =	sbr.rel @p0 .LBB2_2-.Ltmp0, $4  }
0x46: {  	v9 =	vld [tilespmem:s21+$0x130]  }
0x47: {  	v8 =	vld [tilespmem:s21+$0x140]  }
0x48: {  	v12 =	vmul.f32 v12, v6;
	v6 =	vld [tilespmem:s21+$0x150]  }
0x49: {  	s22 =	sadd.s32 $0x200, s22;
	v11 =	vmul.f32 v11, v7;
	v7 =	vld [tilespmem:s21+$0x160]  }
0x4a: {  	[tilespmem:s21+$0x100] =	vst v12;
	v5 =	vmul.f32 v5, v10;
	v63 =	vld [tilespmem:s21+$0x170]  }
0x4b: {  	[tilespmem:s21+$0x110] =	vst v11;
	v4 =	vmul.f32 v4, v9  }
0x4c: {  	[tilespmem:s21+$0x120] =	vst v5;
	v3 =	vmul.f32 v3, v8  }
0x4d: {  	[tilespmem:s21+$0x130] =	vst v4;
	v2 =	vmul.f32 v2, v6  }
0x4e: {  	[tilespmem:s21+$0x140] =	vst v3;
	v1 =	vmul.f32 v1, v7  }
0x4f: {  	[tilespmem:s21+$0x150] =	vst v2;
	v0 =	vmul.f32 v0, v63  }
0x50: {  	[tilespmem:s21+$0x160] =	vst v1  }
0x51: {  	[tilespmem:s21+$0x170] =	vst v0  }
0x52: {  	[hbm4b:s9+s4] =	stream.linear.scatter [tilespmem:s15], [sflag:$0x2], $0x4000, $0x38;
	[tilespmem:$0x8200] =	vst v63  }
0x53: {  	_ =	swait.ge [sflag:s13], $0x4000  }
0x54: {  	[sflag:s13] =	ssyncset.done $0x0  }
0x55: {  	[sflag:s13] =	ssyncadd.s32 $0xFFFFC000  }
0x56: {  	[hbm4b:s10+s4] =	stream.linear.scatter [tilespmem:s17], [sflag:$0x2], $0x80, $0x38;
	[tilespmem:$0x8200] =	vst v63  }
0x57: {  	s20 =	sadd.s32 $0x1, s20;
	_ =	swait.ge [sflag:s13], $0x80  }
0x58: {  	p0 =	sne.s32 s20, s12;
	[sflag:s13] =	ssyncset.done $0x0  }
.Ltmp1:
0x59: {  	[sflag:s13] =	ssyncadd.s32 $0xFFFFFF80;
	(pc) =	sbr.rel @p0 .LBB2_1-.Ltmp1, $4  }
0x5a: {  	[hbm4b:s11+s4] =	stream.linear.scatter [tilespmem:s18], [sflag:$0x2], $0x80, $0x38;
	[tilespmem:$0x8200] =	vst v63  }
0x5b: {  	_ =	swait.ge [sflag:s13], $0x80  }
0x5c: {  	[sflag:s13] =	ssyncset.done $0x0  }
0x5d: {  	[sflag:s13] =	ssyncadd.s32 $0xFFFFFF80  }
0x5e: {  	_ =	sfence.sel $0x180000  }
0x5f: {  	[bflag:$0x0] =	sbarrier.arrive $0xFFFF  }
0x60: {  	p0 =	sne.s32 s3, $0x0;
	_ =	strace $0x90000050  }
0x61: {  	s0 =	sadd.s32 @!p0 $0x100000, s0;
	[bflag:$0x2] =	sbarrier.arrive $0xFFFF  }
0x62: {  	[sflag:s0] =	ssyncadd.tile.s32 @!p0 $0x1;
	_ =	shalt  }
.Lfunc_end2:
_tile_overlayer_lowered:
.L_overlay_start_2:
0x63: {  	(tag) =	ssettag $0x2  }
0x64: {  	s0 =	rddreg [dreg:$0x0];
	s2 =	stileid.u32  }
0x65: {  	s1 =	rddreg [dreg:$0x1];
	p0 =	sne.s32 s2, $0x0  }
0x66: {  	s3 =	rddreg [dreg:$0x2];
	[bflag:$0x3] =	sbarrier.arrive $0xFFFF;
	s2 =	simm.s32 @!p0 $0x1C02  }
0x67: {  	[timem:s3], [sflag:s2] =	dma.local @!p0 [hbm:s0], s1  }
0x68: {  	s0 =	simm.s32 @!p0 $0x2  }
0x69: {  	_ =	swait.ge @!p0 [sflag:s0], s1  }
0x6a: {  	s1 =	ssub.s32 @!p0 $0x0, s1;
	[sflag:s0] =	ssyncset.done @!p0 $0x0  }
0x6b: {  	[sflag:s0] =	ssyncadd.s32 @!p0 s1  }
0x6c: {  	[bflag:$0x3] =	sbarrier.arrive $0xFFFF  }
0x6d: {  	_ =	shalt  }

// kernel: kernel.13.cloned.1.call-start
scs
__scs_entry_jumppad:
0x0: {  	(pc) =	sbr.rel $0x88, $3  }
0x1: {  	(tag) =	ssettag $0x0;
	lr =	simm.s32 $0x1  }
0x2: {  	[smem:$0x3F93] =	sst lr;
	_ =	strace $0xD0000000  }
0x3: {  	_ = 	snop  }
0x4: {  	_ = 	snop  }
0x5: {  	_ = 	snop  }
0x6: {  	_ = 	snop  }
0x7: {  	_ = 	snop  }
__scs_overlays_trampoline_lowered:
0x8: {  	[smem:$0x3FA2] =	sst s0  }
0x9: {  	[smem:$0x3FA3] =	sst s1  }
0xa: {  	[smem:$0x3FA4] =	sst s2  }
0xb: {  	[smem:$0x3FA5] =	sst s3  }
0xc: {  	[smem:$0x3FA6] =	sst s4  }
0xd: {  	[smem:$0x3FA7] =	sst s5  }
0xe: {  	[smem:$0x3FA8] =	sst s6  }
0xf: {  	[smem:$0x3FA9] =	sst s7  }
0x10: {  	[smem:$0x3FAA] =	sst s8  }
0x11: {  	[smem:$0x3FAB] =	sst s9;
	s0 =	simm.s32 @!p0 $0x0  }
0x12: {  	s1 =	sld [smem:$0x3F91];
	s0 =	simm.s32 @p0 $0x1  }
0x13: {  	[smem:$0x3FAC] =	sst s0;
	s0 =	simm.s32 @!p1 $0x0  }
0x14: {  	s2 =	sld [smem:$0x3F90];
	s0 =	simm.s32 @p1 $0x1  }
0x15: {  	[smem:$0x3FAD] =	sst s0;
	s0 =	simm.s32 @!p2 $0x0  }
0x16: {  	s3 =	sld [smem:$0x3FDB];
	s0 =	simm.s32 @p2 $0x1  }
0x17: {  	s4 =	simm.s32 $0x1BF5;
	[smem:$0x3FAF] =	sst s0  }
0x18: {  	s0 =	sld [smem:$0x3F92];
	_ =	swait.ge [sflag:s4], $0x0  }
0x19: {  	s7 =	sld [smem:$0x3F93]  }
0x1a: {  	s8 =	sadd.s32 $0xFFFFE003, lr  }
0x1b: {  	s9 =	sadd.s32 $0xFFFFFEF7, lr;
	s5 =	simm.s32 $0xFFFFFFFF;
	p2 =	slt.u32 s8, $0xFFFFF086  }
0x1c: {  	p1 =	slt.u32 s9, $0xF7A;
	s5 =	simm.s32 @!p2 $0x0  }
0x1d: {  	s5 =	simm.s32 @p1 $0x1;
	p0 =	seq.s32 s7, s2  }
0x1e: {  	s7 =	smul.u32 @!p0 $0xF7A, s2;
	p2 =	seq.s32 @!p0 s5, $0x0  }
0x1f: {  	s9 =	smul.u32 $0xF7A, s1;
	s8 =	simm.s32 @!p0 $0x1BF5;
	p2 =	por !p2, p0  }
0x20: {  	[sflag:s8] =	ssyncset.s32 @!p0 $0xFFFFF086;
	s6 =	sadd.s32 @!p0 s3, s7;
	s7 =	simm.s32 @!p0 $0x108  }
0x21: {  	s3 =	sadd.s32 s3, s9;
	s6 =	sadd.s32 @!p0 $0x88, s6;
	s7 =	simm.s32 @p2 $0x1082  }
0x22: {  	[simem:s7], [sflag:s8] =	dma.local @!p0 [hbm:s6], $0xF7A  }
0x23: {  	s9 =	sor.u32 $0xD0000000, s2;
	s6 =	simm.s32 $0x108;
	_ =	swait.ge @!p0 [sflag:s8], $0x0  }
0x24: {  	s3 =	sadd.s32 $0x88, s3;
	s6 =	simm.s32 @!p1 $0x1082;
	[sflag:s4] =	ssyncset.s32 $0xFFFFF086  }
0x25: {  	[simem:s6], [sflag:s4] =	dma.local [hbm:s3], $0xF7A  }
0x26: {  	[smem:$0x3F93] =	sst s1;
	(tag) =	ssettag s2;
	_ =	strace s9  }
0x27: {  	s1 =	sld [smem:$0x3FA3]  }
0x28: {  	s2 =	sld [smem:$0x3FA4]  }
0x29: {  	s4 =	sld [smem:$0x3FA6]  }
0x2a: {  	p0 =	seq.s32 s5, $0x0;
	s5 =	sld [smem:$0x3FA7]  }
0x2b: {  	s6 =	sld [smem:$0x3FA8]  }
0x2c: {  	s7 =	sld [smem:$0x3FA9]  }
0x2d: {  	s3 =	simm.s32 $0x108;
	s8 =	sld [smem:$0x3FAA]  }
0x2e: {  	s3 =	simm.s32 @!p0 $0x1082;
	s9 =	sld [smem:$0x3FAB]  }
0x2f: {  	lr =	sadd.s32 s0, s3;
	s0 =	sld [smem:$0x3FA2]  }
0x30: {  	s3 =	sld [smem:$0x3FA5]  }
0x31: {  	[smem:$0x3FAE] =	sst s10  }
0x32: {  	s10 =	sld [smem:$0x3FAC];
	_ =	sdelay $0x3  }
0x33: {  	p0 =	seq.s32 s10, $0x1;
	s10 =	sld [smem:$0x3FAE];
	_ =	sdelay $0x3  }
0x34: {  	[smem:$0x3FAE] =	sst s10  }
0x35: {  	s10 =	sld [smem:$0x3FAD];
	_ =	sdelay $0x3  }
0x36: {  	p1 =	seq.s32 s10, $0x1;
	s10 =	sld [smem:$0x3FAE];
	_ =	sdelay $0x3  }
0x37: {  	[smem:$0x3FAE] =	sst s10  }
0x38: {  	s10 =	sld [smem:$0x3FAF]  }
0x39: {  	_ = 	snop;
	(pc) =	sbr.ind lr, $3  }
0x3a: {  	_ = 	snop  }
0x3b: {  	_ = 	snop  }
0x3c: {  	p2 =	seq.s32 s10, $0x1;
	s10 =	sld [smem:$0x3FAE]  }
0x3d: {  	_ =	shalt  }
0x3e: {  	_ =	shalt  }
0x3f: {  	_ =	shalt  }
0x40: {  	_ =	shalt  }
0x41: {  	_ =	shalt  }
0x42: {  	_ =	shalt  }
0x43: {  	_ =	shalt  }
0x44: {  	_ =	shalt  }
0x45: {  	_ =	shalt  }
0x46: {  	_ =	shalt  }
0x47: {  	_ =	shalt  }
0x48: {  	_ =	shalt  }
0x49: {  	_ =	shalt  }
0x4a: {  	_ =	shalt  }
0x4b: {  	_ =	shalt  }
0x4c: {  	_ =	shalt  }
0x4d: {  	_ =	shalt  }
0x4e: {  	_ =	shalt  }
0x4f: {  	_ =	shalt  }
0x50: {  	_ =	shalt  }
0x51: {  	_ =	shalt  }
0x52: {  	_ =	shalt  }
0x53: {  	_ =	shalt  }
0x54: {  	_ =	shalt  }
0x55: {  	_ =	shalt  }
0x56: {  	_ =	shalt  }
0x57: {  	_ =	shalt  }
0x58: {  	_ =	shalt  }
0x59: {  	_ =	shalt  }
0x5a: {  	_ =	shalt  }
0x5b: {  	_ =	shalt  }
0x5c: {  	_ =	shalt  }
0x5d: {  	_ =	shalt  }
0x5e: {  	_ =	shalt  }
0x5f: {  	_ =	shalt  }
0x60: {  	_ =	shalt  }
0x61: {  	_ =	shalt  }
0x62: {  	_ =	shalt  }
0x63: {  	_ =	shalt  }
0x64: {  	_ =	shalt  }
0x65: {  	_ =	shalt  }
0x66: {  	_ =	shalt  }
0x67: {  	_ =	shalt  }
0x68: {  	_ =	shalt  }
0x69: {  	_ =	shalt  }
0x6a: {  	_ =	shalt  }
0x6b: {  	_ =	shalt  }
0x6c: {  	_ =	shalt  }
0x6d: {  	_ =	shalt  }
0x6e: {  	_ =	shalt  }
0x6f: {  	_ =	shalt  }
0x70: {  	_ =	shalt  }
0x71: {  	_ =	shalt  }
0x72: {  	_ =	shalt  }
0x73: {  	_ =	shalt  }
0x74: {  	_ =	shalt  }
0x75: {  	_ =	shalt  }
0x76: {  	_ =	shalt  }
0x77: {  	_ =	shalt  }
0x78: {  	_ =	shalt  }
0x79: {  	_ =	shalt  }
0x7a: {  	_ =	shalt  }
0x7b: {  	_ =	shalt  }
0x7c: {  	_ =	shalt  }
0x7d: {  	_ =	shalt  }
0x7e: {  	_ =	shalt  }
0x7f: {  	_ =	shalt  }
0x80: {  	_ =	shalt  }
0x81: {  	_ =	shalt  }
0x82: {  	_ =	shalt  }
0x83: {  	_ =	shalt  }
0x84: {  	_ =	shalt  }
0x85: {  	_ =	shalt  }
0x86: {  	_ =	shalt  }
0x87: {  	_ =	shalt  }
.Lfunc_end0:
.L_simem_size_0:
called_computation.1_lowered:
.L_overlay_start_0:
0x88: {  	s2 =	sld [smem:$0x3FD9]  }
0x89: {  	s3 =	sld [smem:$0x3FFE];
	_ =	sdelay $0x1  }
0x8a: {  	s1 =	srdreg.scid  }
0x8b: {  	s0 =	sand.u32 $0x1, s1  }
0x8c: {  	s17 =	sshll.u32 s0, $0xA;
	s2 =	sadd.s32 s3, s2  }
0x8d: {  	s2 =	sadd.s32 s2, s17  }
0x8e: {  	[smem:$0x3FBA] =	sst s2  }
0x8f: {  	_ = 	snop  }
0x90: {  	s18 =	sld [smem:$0x3FC7]  }
0x91: {  	s4 =	sld [smem:$0x3FC6];
	(tm) =	ssettm $0x1  }
0x92: {  	s19 =	sld [smem:$0x3FFB];
	_ =	sdelay $0x3  }
0x93: {  	_ =	strace s19  }
0x94: {  	s2 =	sld [smem:$0x3FFC];
	_ =	sdelay $0x3  }
0x95: {  	_ =	strace s2  }
0x96: {  	s2 =	sld [smem:$0x3FFD];
	_ =	sdelay $0x3  }
0x97: {  	_ =	strace s2  }
0x98: {  	_ =	strace $0x8FFFFFFF  }
0x99: {  	s20 =	sld [smem:$0x3FDB];
	_ =	sdelay $0x1  }
0x9a: {  	s5 =	simm.s32 $_scs_section_size  }
0x9b: {  	s6 =	simm.s32 $_size__tile_overlayer_lowered;
	s7 =	simm.s32 $_tile_overlayer_lowered  }
0x9c: {  	s8 =	simm.s32 $0x1BFF;
	s21 =	sshll.u32 s7, $0x1;
	s5 =	sadd.s32 s5, s20  }
0x9d: {  	s22 =	simm.s32 $0x0;
	s6 =	sshll.u32 s6, $0x1;
	s7 =	sadd.s32 s21, s5  }
0x9e: {  	[timem:s22], [sflag:s8] =	dma.local [hbm:s7], s6  }
0x9f: {  	_ =	swait.ge [sflag:s8], s6  }
0xa0: {  	s6 =	ssub.s32 $0x0, s6;
	[sflag:s8] =	ssyncset.done $0x0  }
0xa1: {  	[sflag:s8] =	ssyncadd.s32 s6;
	_ =	sdelay $0x1  }
0xa2: {  	s23 =	simm.s32 $0x1B8B  }
0xa3: {  	_ =	swait.ge [sflag:s23], $0x1  }
0xa4: {  	[sflag:s23] =	ssyncset.done $0x0  }
0xa5: {  	[sflag:s23] =	ssyncadd.s32 $0xFFFFFFFF  }
0xa6: {  	s6 =	sld [smem:$0x0]  }
0xa7: {  	s7 =	sand.u32 $0xFFFFFFFE, s1  }
0xa8: {  	p0 =	sne.s32 s1, s7  }
0xa9: {  	s7 =	sshll.u32 @p0 s7, $0xE  }
0xaa: {  	s7 =	sadd.s32 @p0 $0x11B8D, s7;
	s8 =	sshll.u32 @p0 s6, $0x11  }
0xab: {  	s7 =	sor.u32 @p0 s8, s7  }
0xac: {  	[sflag:s7] =	ssyncadd.remote.s32 @p0 $0x1;
	_ =	sdelay $0x1  }
0xad: {  	s7 =	simm.s32 @p0 $0x1B8D  }
0xae: {  	_ =	swait.eq @p0 [sflag:s7], $0x1  }
0xaf: {  	[sflag:s7] =	ssyncadd.s32 @p0 $0xFFFFFFFF  }
0xb0: {  	s8 =	sshll.u32 @!p0 s1, $0xE  }
0xb1: {  	s8 =	sor.u32 @!p0 $0x4000, s8;
	s7 =	simm.s32 @!p0 $0x1B8D  }
0xb2: {  	s6 =	sshll.u32 @!p0 s6, $0x11;
	s8 =	sadd.s32 @!p0 $0x11B8D, s8;
	_ =	swait.eq @!p0 [sflag:s7], $0x1  }
0xb3: {  	s6 =	sor.u32 @!p0 s6, s8;
	[sflag:s7] =	ssyncadd.s32 @!p0 $0xFFFFFFFF  }
0xb4: {  	s25 =	simm.s32 $0x1B8E;
	s24 =	sld [smem:$0x3FFE];
	[sflag:s6] =	ssyncadd.remote.s32 @!p0 $0x1  }
0xb5: {  	s26 =	simm.s32 $execute0_lowered;
	[smem:$0x3FD2] =	sst s25  }
0xb6: {  	s7 =	sshll.u32 s26, $0x1;
	_ =	strace $0x8000004C;
	[dreg:$0x1] =	wrdreg $0xFFFFFFFF  }
0xb7: {  	s28 =	simm.s32 $_size_execute0_lowered;
	s5 =	sadd.s32 s5, s7;
	[dreg:$0x0] =	wrdreg $0x0  }
0xb8: {  	s7 =	sshll.u32 s28, $0x1;
	[dreg:$0x2] =	wrdreg s5  }
0xb9: {  	[dreg:$0x3] =	wrdreg s7  }
0xba: {  	[dreg:$0x4] =	wrdreg $0xC0  }
0xbb: {  	_ =	task [dreg:s22], $0x5FFFF  }
0xbc: {  	[dreg:$0x1] =	wrdreg $0xFFFFFFFF  }
0xbd: {  	[dreg:$0x0] =	wrdreg $0x60  }
0xbe: {  	[dreg:$0x2] =	wrdreg s24  }
0xbf: {  	[dreg:$0x3] =	wrdreg s18  }
0xc0: {  	[dreg:$0x4] =	wrdreg s4  }
0xc1: {  	[dreg:$0x5] =	wrdreg $0xA  }
0xc2: {  	_ =	task.clear_ibuf [dreg:s22], $0x6FFFF;
	_ =	strace $0x9000004C  }
0xc3: {  	s29 =	simm.s32 $0xA;
	_ =	strace $0x8000004E  }
0xc4: {  	_ =	swait.ge [sflag:s29], $0x1  }
0xc5: {  	[sflag:s29] =	ssyncadd.s32 $0xFFFFFFFF  }
0xc6: {  	_ =	strace $0x9000004E  }
0xc7: {  	_ =	sfence  }
0xc8: {  	s30 =	sld [smem:$0x0];
	_ =	sdelay $0x2  }
0xc9: {  	s31 =	sshll.u32 s1, $0xD;
	s1 =	sshrl.u32 s1, $0x2  }
0xca: {  	s4 =	sand.u32 $0x4000, s31;
	s1 =	sadd.s32 s1, s30  }
0xcb: {  	s0 =	sor.u32 s4, s0;
	s1 =	sshll.u32 s1, $0x11  }
0xcc: {  	s0 =	sor.u32 s1, s0  }
0xcd: {  	s0 =	sadd.s32 $0x8F2B, s0  }
0xce: {  	[sflag:s0] =	ssyncadd.remote.s32 $0x1  }
0xcf: {  	_ =	sfence.sel $0xFFFF  }
0xd0: {  	[dreg:$0x0] =	wrdreg $0xFFFFFFFF;
	(pc) =	sbr.abs _section_cstart, $3  }
0xd1: {  	[dreg:$0x1] =	wrdreg $0xFFFFFFFF  }
0xd2: {  	_ =	task.clear_ibuf [dreg:s22], $0x2FFFF;
	_ =	strace $0x9FFFFFFF  }
0xd3: {  	(tm) =	ssettm $0x7FFFFFFF  }
tec
execute0_lowered:
.L_overlay_start_1:
0x0: {  	(tag) =	ssettag $0x1  }
0x1: {  	s7 =	rddreg [dreg:$0x0]  }
0x2: {  	s1 =	rddreg [dreg:$0x1]  }
0x3: {  	s2 =	rddreg [dreg:$0x2]  }
0x4: {  	s0 =	rddreg [dreg:$0x3];
	s4 =	simm.s32 $0x0;
	s5 =	srdreg.scid  }
0x5: {  	s3 =	stileid.u32;
	s13 =	simm.s32 $0x2;
	s14 =	simm.s32 $0x80  }
0x6: {  	s15 =	simm.s32 $0x100;
	s16 =	simm.s32 $0x4100;
	s17 =	simm.s32 $0x8100  }
0x7: {  	s18 =	simm.s32 $0x8180;
	s19 =	simm.s32 $0x1;
	s20 =	simm.s32 $0x0  }
0x8: {  	[smem:$0x7FF] =	sst s4;
	s8 =	sand.u32 $0x1, s5;
	s9 =	sshll.u32 s3, $0x8  }
0x9: {  	s5 =	sadd.s32 $0x3600, s7;
	s6 =	sadd.s32 $0x6800, s7;
	s10 =	sshll.u32 s8, $0x7  }
0xa: {  	_ =	strace $0x8000004D;
	s8 =	ssub.s32 $0x2, s8;
	s9 =	sor.u32 s10, s9  }
0xb: {  	s31 =	sshrl.u32 s8, $0x1;
	s10 =	sshll.u32 s9, $0x4;
	s9 =	sshrl.u32 s9, $0x3  }
0xc: {  	s12 =	ssub.s32 s8, s31;
	s10 =	sadd.s32 s10, s7;
	s11 =	sadd.s32 s9, s7  }
0xd: {  	s12 =	smax.u32 s12, $0x1;
	s7 =	sadd.s32 $0xA400, s11;
	s8 =	sadd.s32 $0xA200, s11  }
0xe: {  	s9 =	sadd.s32 $0x2B400, s10;
	s10 =	sadd.s32 $0x2B000, s11;
	s11 =	sadd.s32 $0x2B200, s11  }
.LBB2_1:
0xf: {  	[tilespmem:s4], [sflag:$0x2] =	stream.linear.gather [hbm4b:s7+s4], $0x80, $0x38;
	[tilespmem:$0x8200] =	vst v63  }
0x10: {  	_ =	swait.ge [sflag:s13], $0x80  }
0x11: {  	[sflag:s13] =	ssyncset.done $0x0  }
0x12: {  	[sflag:s13] =	ssyncadd.s32 $0xFFFFFF80  }
0x13: {  	[tilespmem:s14], [sflag:$0x2] =	stream.linear.gather [hbm4b:s8+s4], $0x80, $0x38;
	[tilespmem:$0x8200] =	vst v63  }
0x14: {  	_ =	swait.ge [sflag:s13], $0x80  }
0x15: {  	[sflag:s13] =	ssyncset.done $0x0  }
0x16: {  	[sflag:s13] =	ssyncadd.s32 $0xFFFFFF80  }
0x17: {  	[tilespmem:s15], [sflag:$0x1] =	stream.indirect.gather [hbm4b:s1+s14], $0x80, s4, s14, $0xb8;
	[tilespmem:$0x8200] =	vst v63  }
0x18: {  	_ = 	snop  }
0x19: {  	[tilespmem:s16], [sflag:$0x1] =	stream.indirect.gather [hbm4b:s2+s14], $0x80, s14, s14, $0xb8;
	[tilespmem:$0x8200] =	vst v63  }
0x1a: {  	_ = 	snop  }
0x1b: {  	[tilespmem:s17], [sflag:$0x1] =	stream.indirect.gather [hbm4b:s5+s14], $0x1, s4, s14, $0xb8;
	[tilespmem:$0x8200] =	vst v63  }
0x1c: {  	_ = 	snop  }
0x1d: {  	[tilespmem:s18], [sflag:$0x1] =	stream.indirect.gather [hbm4b:s6+s14], $0x1, s14, s14, $0xb8;
	[tilespmem:$0x8200] =	vst v63  }
0x1e: {  	_ =	swait.ge [sflag:s19], $0x4000  }
0x1f: {  	[sflag:s19] =	ssyncset.done $0x0  }
0x20: {  	[sflag:s19] =	ssyncadd.s32 $0xFFFFC000  }
0x21: {  	_ =	swait.ge [sflag:s19], $0x4000  }
0x22: {  	[sflag:s19] =	ssyncset.done $0x0  }
0x23: {  	[sflag:s19] =	ssyncadd.s32 $0xFFFFC000  }
0x24: {  	_ =	swait.ge [sflag:s19], $0x80  }
0x25: {  	[sflag:s19] =	ssyncset.done $0x0  }
0x26: {  	[sflag:s19] =	ssyncadd.s32 $0xFFFFFF80  }
0x27: {  	_ =	swait.ge [sflag:s19], $0x80  }
0x28: {  	[sflag:s19] =	ssyncset.done $0x0  }
0x29: {  	s21 =	simm.s32 $0x0;
	[sflag:s19] =	ssyncadd.s32 $0xFFFFFF80  }
0x2a: {  	v7 =	vld [tilespmem:s21+$0x4100]  }
0x2b: {  	v11 =	vld [tilespmem:s21+$0x4110]  }
0x2c: {  	v5 =	vld [tilespmem:s21+$0x4120]  }
0x2d: {  	v4 =	vld [tilespmem:s21+$0x4130]  }
0x2e: {  	v3 =	vld [tilespmem:s21+$0x4140]  }
0x2f: {  	v2 =	vld [tilespmem:s21+$0x4150]  }
0x30: {  	v1 =	vld [tilespmem:s21+$0x4160]  }
0x31: {  	v0 =	vld [tilespmem:s21+$0x4170]  }
0x32: {  	v12 =	vld [tilespmem:s21+$0x100]  }
0x33: {  	v13 =	vld [tilespmem:s21+$0x110]  }
0x34: {  	v10 =	vld [tilespmem:s21+$0x120]  }
0x35: {  	v9 =	vld [tilespmem:s21+$0x130]  }
0x36: {  	v8 =	vld [tilespmem:s21+$0x140]  }
0x37: {  	v6 =	vld [tilespmem:s21+$0x150];
	v12 =	vmul.f32 v7, v12  }
0x38: {  	s22 =	simm.s32 $0x200;
	v11 =	vmul.f32 v11, v13;
	v7 =	vld [tilespmem:s21+$0x160]  }
.LBB2_2:
0x39: {  	s23 =	sshra.s32 s22, $0x2;
	p0 =	sne.s32 s22, $0xFE00;
	[tilespmem:s21+$0x100] =	vst v12;
	v5 =	vmul.f32 v5, v10;
	v10 =	vld [tilespmem:s21+$0x170]  }
0x3a: {  	v12 =	vld [tilespmem:s23+$0x4100];
	[tilespmem:s21+$0x110] =	vst v11;
	v4 =	vmul.f32 v4, v9  }
0x3b: {  	v11 =	vld [tilespmem:s23+$0x4110];
	[tilespmem:s21+$0x120] =	vst v5;
	v3 =	vmul.f32 v3, v8  }
0x3c: {  	v5 =	vld [tilespmem:s23+$0x4120];
	[tilespmem:s21+$0x130] =	vst v4;
	v2 =	vmul.f32 v2, v6  }
0x3d: {  	v4 =	vld [tilespmem:s23+$0x4130];
	[tilespmem:s21+$0x140] =	vst v3;
	v1 =	vmul.f32 v1, v7  }
0x3e: {  	v3 =	vld [tilespmem:s23+$0x4140];
	[tilespmem:s21+$0x150] =	vst v2;
	v0 =	vmul.f32 v0, v10  }
0x3f: {  	v2 =	vld [tilespmem:s23+$0x4150];
	[tilespmem:s21+$0x160] =	vst v1  }
0x40: {  	v1 =	vld [tilespmem:s23+$0x4160];
	[tilespmem:s21+$0x170] =	vst v0;
	s21 =	smov.u32 s23  }
0x41: {  	v0 =	vld [tilespmem:s21+$0x4170]  }
0x42: {  	v6 =	vld [tilespmem:s21+$0x100]  }
0x43: {  	v7 =	vld [tilespmem:s21+$0x110]  }
.Ltmp0:
0x44: {  	v10 =	vld [tilespmem:s21+$0x120];
	(pc) =	sbr.rel @p0 .LBB2_2-.Ltmp0, $4  }
0x45: {  	v9 =	vld [tilespmem:s21+$0x130]  }
0x46: {  	v8 =	vld [tilespmem:s21+$0x140]  }
0x47: {  	v12 =	vmul.f32 v12, v6;
	v6 =	vld [tilespmem:s21+$0x150]  }
0x48: {  	s22 =	sadd.s32 $0x200, s22;
	v11 =	vmul.f32 v11, v7;
	v7 =	vld [tilespmem:s21+$0x160]  }
0x49: {  	[tilespmem:s21+$0x100] =	vst v12;
	v5 =	vmul.f32 v5, v10;
	v63 =	vld [tilespmem:s21+$0x170]  }
0x4a: {  	[tilespmem:s21+$0x110] =	vst v11;
	v4 =	vmul.f32 v4, v9  }
0x4b: {  	[tilespmem:s21+$0x120] =	vst v5;
	v3 =	vmul.f32 v3, v8  }
0x4c: {  	[tilespmem:s21+$0x130] =	vst v4;
	v2 =	vmul.f32 v2, v6  }
0x4d: {  	[tilespmem:s21+$0x140] =	vst v3;
	v1 =	vmul.f32 v1, v7  }
0x4e: {  	[tilespmem:s21+$0x150] =	vst v2;
	v0 =	vmul.f32 v0, v63  }
0x4f: {  	[tilespmem:s21+$0x160] =	vst v1  }
0x50: {  	[tilespmem:s21+$0x170] =	vst v0  }
0x51: {  	[hbm4b:s9+s4] =	stream.linear.scatter [tilespmem:s15], [sflag:$0x2], $0x4000, $0x38;
	[tilespmem:$0x8200] =	vst v63  }
0x52: {  	_ =	swait.ge [sflag:s13], $0x4000  }
0x53: {  	[sflag:s13] =	ssyncset.done $0x0  }
0x54: {  	[sflag:s13] =	ssyncadd.s32 $0xFFFFC000  }
0x55: {  	[hbm4b:s10+s4] =	stream.linear.scatter [tilespmem:s17], [sflag:$0x2], $0x80, $0x38;
	[tilespmem:$0x8200] =	vst v63  }
0x56: {  	s20 =	sadd.s32 $0x1, s20;
	_ =	swait.ge [sflag:s13], $0x80  }
0x57: {  	p0 =	sne.s32 s20, s12;
	[sflag:s13] =	ssyncset.done $0x0  }
.Ltmp1:
0x58: {  	[sflag:s13] =	ssyncadd.s32 $0xFFFFFF80;
	(pc) =	sbr.rel @p0 .LBB2_1-.Ltmp1, $4  }
0x59: {  	[hbm4b:s11+s4] =	stream.linear.scatter [tilespmem:s18], [sflag:$0x2], $0x80, $0x38;
	[tilespmem:$0x8200] =	vst v63  }
0x5a: {  	_ =	swait.ge [sflag:s13], $0x80  }
0x5b: {  	[sflag:s13] =	ssyncset.done $0x0  }
0x5c: {  	[sflag:s13] =	ssyncadd.s32 $0xFFFFFF80  }
0x5d: {  	_ =	sfence.sel $0x180000  }
0x5e: {  	[bflag:$0x0] =	sbarrier.arrive $0xFFFF  }
0x5f: {  	p0 =	sne.s32 s3, $0x0;
	_ =	strace $0x9000004D  }
0x60: {  	s0 =	sadd.s32 @!p0 $0x100000, s0;
	[bflag:$0x2] =	sbarrier.arrive $0xFFFF  }
0x61: {  	[sflag:s0] =	ssyncadd.tile.s32 @!p0 $0x1;
	_ =	shalt  }
.Lfunc_end2:
_tile_overlayer_lowered:
.L_overlay_start_2:
0x62: {  	(tag) =	ssettag $0x2  }
0x63: {  	s0 =	rddreg [dreg:$0x0];
	s2 =	stileid.u32  }
0x64: {  	s1 =	rddreg [dreg:$0x1];
	p0 =	sne.s32 s2, $0x0  }
0x65: {  	s3 =	rddreg [dreg:$0x2];
	[bflag:$0x3] =	sbarrier.arrive $0xFFFF;
	s2 =	simm.s32 @!p0 $0x1C02  }
0x66: {  	[timem:s3], [sflag:s2] =	dma.local @!p0 [hbm:s0], s1  }
0x67: {  	s0 =	simm.s32 @!p0 $0x2  }
0x68: {  	_ =	swait.ge @!p0 [sflag:s0], s1  }
0x69: {  	s1 =	ssub.s32 @!p0 $0x0, s1;
	[sflag:s0] =	ssyncset.done @!p0 $0x0  }
0x6a: {  	[sflag:s0] =	ssyncadd.s32 @!p0 s1  }
0x6b: {  	[bflag:$0x3] =	sbarrier.arrive $0xFFFF  }
0x6c: {  	_ =	shalt  }

// kernel: kernel.16.cloned.1.call-start
scs
__scs_entry_jumppad:
0x0: {  	(pc) =	sbr.rel $0x88, $3  }
0x1: {  	(tag) =	ssettag $0x0;
	lr =	simm.s32 $0x1  }
0x2: {  	[smem:$0x3F93] =	sst lr;
	_ =	strace $0xD0000000  }
0x3: {  	_ = 	snop  }
0x4: {  	_ = 	snop  }
0x5: {  	_ = 	snop  }
0x6: {  	_ = 	snop  }
0x7: {  	_ = 	snop  }
__scs_overlays_trampoline_lowered:
0x8: {  	[smem:$0x3FA2] =	sst s0  }
0x9: {  	[smem:$0x3FA3] =	sst s1  }
0xa: {  	[smem:$0x3FA4] =	sst s2  }
0xb: {  	[smem:$0x3FA5] =	sst s3  }
0xc: {  	[smem:$0x3FA6] =	sst s4  }
0xd: {  	[smem:$0x3FA7] =	sst s5  }
0xe: {  	[smem:$0x3FA8] =	sst s6  }
0xf: {  	[smem:$0x3FA9] =	sst s7  }
0x10: {  	[smem:$0x3FAA] =	sst s8  }
0x11: {  	[smem:$0x3FAB] =	sst s9;
	s0 =	simm.s32 @!p0 $0x0  }
0x12: {  	s1 =	sld [smem:$0x3F91];
	s0 =	simm.s32 @p0 $0x1  }
0x13: {  	[smem:$0x3FAC] =	sst s0;
	s0 =	simm.s32 @!p1 $0x0  }
0x14: {  	s2 =	sld [smem:$0x3F90];
	s0 =	simm.s32 @p1 $0x1  }
0x15: {  	[smem:$0x3FAD] =	sst s0;
	s0 =	simm.s32 @!p2 $0x0  }
0x16: {  	s3 =	sld [smem:$0x3FDB];
	s0 =	simm.s32 @p2 $0x1  }
0x17: {  	s4 =	simm.s32 $0x1BF5;
	[smem:$0x3FAF] =	sst s0  }
0x18: {  	s0 =	sld [smem:$0x3F92];
	_ =	swait.ge [sflag:s4], $0x0  }
0x19: {  	s7 =	sld [smem:$0x3F93]  }
0x1a: {  	s8 =	sadd.s32 $0xFFFFE003, lr  }
0x1b: {  	s9 =	sadd.s32 $0xFFFFFEF7, lr;
	s5 =	simm.s32 $0xFFFFFFFF;
	p2 =	slt.u32 s8, $0xFFFFF086  }
0x1c: {  	p1 =	slt.u32 s9, $0xF7A;
	s5 =	simm.s32 @!p2 $0x0  }
0x1d: {  	s5 =	simm.s32 @p1 $0x1;
	p0 =	seq.s32 s7, s2  }
0x1e: {  	s7 =	smul.u32 @!p0 $0xF7A, s2;
	p2 =	seq.s32 @!p0 s5, $0x0  }
0x1f: {  	s9 =	smul.u32 $0xF7A, s1;
	s8 =	simm.s32 @!p0 $0x1BF5;
	p2 =	por !p2, p0  }
0x20: {  	[sflag:s8] =	ssyncset.s32 @!p0 $0xFFFFF086;
	s6 =	sadd.s32 @!p0 s3, s7;
	s7 =	simm.s32 @!p0 $0x108  }
0x21: {  	s3 =	sadd.s32 s3, s9;
	s6 =	sadd.s32 @!p0 $0x88, s6;
	s7 =	simm.s32 @p2 $0x1082  }
0x22: {  	[simem:s7], [sflag:s8] =	dma.local @!p0 [hbm:s6], $0xF7A  }
0x23: {  	s9 =	sor.u32 $0xD0000000, s2;
	s6 =	simm.s32 $0x108;
	_ =	swait.ge @!p0 [sflag:s8], $0x0  }
0x24: {  	s3 =	sadd.s32 $0x88, s3;
	s6 =	simm.s32 @!p1 $0x1082;
	[sflag:s4] =	ssyncset.s32 $0xFFFFF086  }
0x25: {  	[simem:s6], [sflag:s4] =	dma.local [hbm:s3], $0xF7A  }
0x26: {  	[smem:$0x3F93] =	sst s1;
	(tag) =	ssettag s2;
	_ =	strace s9  }
0x27: {  	s1 =	sld [smem:$0x3FA3]  }
0x28: {  	s2 =	sld [smem:$0x3FA4]  }
0x29: {  	s4 =	sld [smem:$0x3FA6]  }
0x2a: {  	p0 =	seq.s32 s5, $0x0;
	s5 =	sld [smem:$0x3FA7]  }
0x2b: {  	s6 =	sld [smem:$0x3FA8]  }
0x2c: {  	s7 =	sld [smem:$0x3FA9]  }
0x2d: {  	s3 =	simm.s32 $0x108;
	s8 =	sld [smem:$0x3FAA]  }
0x2e: {  	s3 =	simm.s32 @!p0 $0x1082;
	s9 =	sld [smem:$0x3FAB]  }
0x2f: {  	lr =	sadd.s32 s0, s3;
	s0 =	sld [smem:$0x3FA2]  }
0x30: {  	s3 =	sld [smem:$0x3FA5]  }
0x31: {  	[smem:$0x3FAE] =	sst s10  }
0x32: {  	s10 =	sld [smem:$0x3FAC];
	_ =	sdelay $0x3  }
0x33: {  	p0 =	seq.s32 s10, $0x1;
	s10 =	sld [smem:$0x3FAE];
	_ =	sdelay $0x3  }
0x34: {  	[smem:$0x3FAE] =	sst s10  }
0x35: {  	s10 =	sld [smem:$0x3FAD];
	_ =	sdelay $0x3  }
0x36: {  	p1 =	seq.s32 s10, $0x1;
	s10 =	sld [smem:$0x3FAE];
	_ =	sdelay $0x3  }
0x37: {  	[smem:$0x3FAE] =	sst s10  }
0x38: {  	s10 =	sld [smem:$0x3FAF]  }
0x39: {  	_ = 	snop;
	(pc) =	sbr.ind lr, $3  }
0x3a: {  	_ = 	snop  }
0x3b: {  	_ = 	snop  }
0x3c: {  	p2 =	seq.s32 s10, $0x1;
	s10 =	sld [smem:$0x3FAE]  }
0x3d: {  	_ =	shalt  }
0x3e: {  	_ =	shalt  }
0x3f: {  	_ =	shalt  }
0x40: {  	_ =	shalt  }
0x41: {  	_ =	shalt  }
0x42: {  	_ =	shalt  }
0x43: {  	_ =	shalt  }
0x44: {  	_ =	shalt  }
0x45: {  	_ =	shalt  }
0x46: {  	_ =	shalt  }
0x47: {  	_ =	shalt  }
0x48: {  	_ =	shalt  }
0x49: {  	_ =	shalt  }
0x4a: {  	_ =	shalt  }
0x4b: {  	_ =	shalt  }
0x4c: {  	_ =	shalt  }
0x4d: {  	_ =	shalt  }
0x4e: {  	_ =	shalt  }
0x4f: {  	_ =	shalt  }
0x50: {  	_ =	shalt  }
0x51: {  	_ =	shalt  }
0x52: {  	_ =	shalt  }
0x53: {  	_ =	shalt  }
0x54: {  	_ =	shalt  }
0x55: {  	_ =	shalt  }
0x56: {  	_ =	shalt  }
0x57: {  	_ =	shalt  }
0x58: {  	_ =	shalt  }
0x59: {  	_ =	shalt  }
0x5a: {  	_ =	shalt  }
0x5b: {  	_ =	shalt  }
0x5c: {  	_ =	shalt  }
0x5d: {  	_ =	shalt  }
0x5e: {  	_ =	shalt  }
0x5f: {  	_ =	shalt  }
0x60: {  	_ =	shalt  }
0x61: {  	_ =	shalt  }
0x62: {  	_ =	shalt  }
0x63: {  	_ =	shalt  }
0x64: {  	_ =	shalt  }
0x65: {  	_ =	shalt  }
0x66: {  	_ =	shalt  }
0x67: {  	_ =	shalt  }
0x68: {  	_ =	shalt  }
0x69: {  	_ =	shalt  }
0x6a: {  	_ =	shalt  }
0x6b: {  	_ =	shalt  }
0x6c: {  	_ =	shalt  }
0x6d: {  	_ =	shalt  }
0x6e: {  	_ =	shalt  }
0x6f: {  	_ =	shalt  }
0x70: {  	_ =	shalt  }
0x71: {  	_ =	shalt  }
0x72: {  	_ =	shalt  }
0x73: {  	_ =	shalt  }
0x74: {  	_ =	shalt  }
0x75: {  	_ =	shalt  }
0x76: {  	_ =	shalt  }
0x77: {  	_ =	shalt  }
0x78: {  	_ =	shalt  }
0x79: {  	_ =	shalt  }
0x7a: {  	_ =	shalt  }
0x7b: {  	_ =	shalt  }
0x7c: {  	_ =	shalt  }
0x7d: {  	_ =	shalt  }
0x7e: {  	_ =	shalt  }
0x7f: {  	_ =	shalt  }
0x80: {  	_ =	shalt  }
0x81: {  	_ =	shalt  }
0x82: {  	_ =	shalt  }
0x83: {  	_ =	shalt  }
0x84: {  	_ =	shalt  }
0x85: {  	_ =	shalt  }
0x86: {  	_ =	shalt  }
0x87: {  	_ =	shalt  }
.Lfunc_end0:
.L_simem_size_0:
called_computation.2_lowered:
.L_overlay_start_0:
0x88: {  	s2 =	sld [smem:$0x3FD9]  }
0x89: {  	s3 =	sld [smem:$0x3FFE];
	_ =	sdelay $0x1  }
0x8a: {  	s1 =	srdreg.scid  }
0x8b: {  	s0 =	sand.u32 $0x1, s1  }
0x8c: {  	s17 =	sshll.u32 s0, $0xA;
	s2 =	sadd.s32 s3, s2  }
0x8d: {  	s2 =	sadd.s32 s2, s17  }
0x8e: {  	[smem:$0x3FBA] =	sst s2  }
0x8f: {  	_ = 	snop  }
0x90: {  	s18 =	sld [smem:$0x3FC7]  }
0x91: {  	s4 =	sld [smem:$0x3FC6];
	(tm) =	ssettm $0x1  }
0x92: {  	s19 =	sld [smem:$0x3FFB];
	_ =	sdelay $0x3  }
0x93: {  	_ =	strace s19  }
0x94: {  	s2 =	sld [smem:$0x3FFC];
	_ =	sdelay $0x3  }
0x95: {  	_ =	strace s2  }
0x96: {  	s2 =	sld [smem:$0x3FFD];
	_ =	sdelay $0x3  }
0x97: {  	_ =	strace s2  }
0x98: {  	_ =	strace $0x8FFFFFFF  }
0x99: {  	s20 =	sld [smem:$0x3FDB];
	_ =	sdelay $0x1  }
0x9a: {  	s5 =	simm.s32 $_scs_section_size  }
0x9b: {  	s6 =	simm.s32 $_size__tile_overlayer_lowered;
	s7 =	simm.s32 $_tile_overlayer_lowered  }
0x9c: {  	s8 =	simm.s32 $0x1BFF;
	s21 =	sshll.u32 s7, $0x1;
	s5 =	sadd.s32 s5, s20  }
0x9d: {  	s22 =	simm.s32 $0x0;
	s6 =	sshll.u32 s6, $0x1;
	s7 =	sadd.s32 s21, s5  }
0x9e: {  	[timem:s22], [sflag:s8] =	dma.local [hbm:s7], s6  }
0x9f: {  	_ =	swait.ge [sflag:s8], s6  }
0xa0: {  	s6 =	ssub.s32 $0x0, s6;
	[sflag:s8] =	ssyncset.done $0x0  }
0xa1: {  	[sflag:s8] =	ssyncadd.s32 s6;
	_ =	sdelay $0x1  }
0xa2: {  	s23 =	simm.s32 $0x1B8B  }
0xa3: {  	_ =	swait.ge [sflag:s23], $0x1  }
0xa4: {  	[sflag:s23] =	ssyncset.done $0x0  }
0xa5: {  	[sflag:s23] =	ssyncadd.s32 $0xFFFFFFFF  }
0xa6: {  	s6 =	sld [smem:$0x0]  }
0xa7: {  	s7 =	sand.u32 $0xFFFFFFFE, s1  }
0xa8: {  	p0 =	sne.s32 s1, s7  }
0xa9: {  	s7 =	sshll.u32 @p0 s7, $0xE  }
0xaa: {  	s7 =	sadd.s32 @p0 $0x11B8D, s7;
	s8 =	sshll.u32 @p0 s6, $0x11  }
0xab: {  	s7 =	sor.u32 @p0 s8, s7  }
0xac: {  	[sflag:s7] =	ssyncadd.remote.s32 @p0 $0x1;
	_ =	sdelay $0x1  }
0xad: {  	s7 =	simm.s32 @p0 $0x1B8D  }
0xae: {  	_ =	swait.eq @p0 [sflag:s7], $0x1  }
0xaf: {  	[sflag:s7] =	ssyncadd.s32 @p0 $0xFFFFFFFF  }
0xb0: {  	s8 =	sshll.u32 @!p0 s1, $0xE  }
0xb1: {  	s8 =	sor.u32 @!p0 $0x4000, s8;
	s7 =	simm.s32 @!p0 $0x1B8D  }
0xb2: {  	s6 =	sshll.u32 @!p0 s6, $0x11;
	s8 =	sadd.s32 @!p0 $0x11B8D, s8;
	_ =	swait.eq @!p0 [sflag:s7], $0x1  }
0xb3: {  	s6 =	sor.u32 @!p0 s6, s8;
	[sflag:s7] =	ssyncadd.s32 @!p0 $0xFFFFFFFF  }
0xb4: {  	s25 =	simm.s32 $0x1B8E;
	s24 =	sld [smem:$0x3FFE];
	[sflag:s6] =	ssyncadd.remote.s32 @!p0 $0x1  }
0xb5: {  	s26 =	simm.s32 $execute0_lowered;
	[smem:$0x3FD2] =	sst s25  }
0xb6: {  	s7 =	sshll.u32 s26, $0x1;
	_ =	strace $0x80000049;
	[dreg:$0x1] =	wrdreg $0xFFFFFFFF  }
0xb7: {  	s28 =	simm.s32 $_size_execute0_lowered;
	s5 =	sadd.s32 s5, s7;
	[dreg:$0x0] =	wrdreg $0x0  }
0xb8: {  	s7 =	sshll.u32 s28, $0x1;
	[dreg:$0x2] =	wrdreg s5  }
0xb9: {  	[dreg:$0x3] =	wrdreg s7  }
0xba: {  	[dreg:$0x4] =	wrdreg $0xC0  }
0xbb: {  	_ =	task [dreg:s22], $0x5FFFF  }
0xbc: {  	[dreg:$0x1] =	wrdreg $0xFFFFFFFF  }
0xbd: {  	[dreg:$0x0] =	wrdreg $0x60  }
0xbe: {  	[dreg:$0x2] =	wrdreg s24  }
0xbf: {  	[dreg:$0x3] =	wrdreg s18  }
0xc0: {  	[dreg:$0x4] =	wrdreg s4  }
0xc1: {  	[dreg:$0x5] =	wrdreg $0xB  }
0xc2: {  	_ =	task.clear_ibuf [dreg:s22], $0x6FFFF;
	_ =	strace $0x90000049  }
0xc3: {  	s29 =	simm.s32 $0xB;
	_ =	strace $0x8000004B  }
0xc4: {  	_ =	swait.ge [sflag:s29], $0x1  }
0xc5: {  	[sflag:s29] =	ssyncadd.s32 $0xFFFFFFFF  }
0xc6: {  	_ =	strace $0x9000004B  }
0xc7: {  	_ =	sfence  }
0xc8: {  	s30 =	sld [smem:$0x0];
	_ =	sdelay $0x2  }
0xc9: {  	s31 =	sshll.u32 s1, $0xD;
	s1 =	sshrl.u32 s1, $0x2  }
0xca: {  	s4 =	sand.u32 $0x4000, s31;
	s1 =	sadd.s32 s1, s30  }
0xcb: {  	s0 =	sor.u32 s4, s0;
	s1 =	sshll.u32 s1, $0x11  }
0xcc: {  	s0 =	sor.u32 s1, s0  }
0xcd: {  	s0 =	sadd.s32 $0x8F2B, s0  }
0xce: {  	[sflag:s0] =	ssyncadd.remote.s32 $0x1  }
0xcf: {  	_ =	sfence.sel $0xFFFF  }
0xd0: {  	[dreg:$0x0] =	wrdreg $0xFFFFFFFF;
	(pc) =	sbr.abs _section_cstart, $3  }
0xd1: {  	[dreg:$0x1] =	wrdreg $0xFFFFFFFF  }
0xd2: {  	_ =	task.clear_ibuf [dreg:s22], $0x2FFFF;
	_ =	strace $0x9FFFFFFF  }
0xd3: {  	(tm) =	ssettm $0x7FFFFFFF  }
tec
execute0_lowered:
.L_overlay_start_1:
0x0: {  	(tag) =	ssettag $0x1  }
0x1: {  	s7 =	rddreg [dreg:$0x0]  }
0x2: {  	s1 =	rddreg [dreg:$0x1]  }
0x3: {  	s2 =	rddreg [dreg:$0x2]  }
0x4: {  	s0 =	rddreg [dreg:$0x3];
	s4 =	simm.s32 $0x0;
	s5 =	srdreg.scid  }
0x5: {  	s3 =	stileid.u32;
	s13 =	simm.s32 $0x2;
	s14 =	simm.s32 $0x80  }
0x6: {  	s15 =	simm.s32 $0x100;
	s16 =	simm.s32 $0x4100;
	s17 =	simm.s32 $0x8100  }
0x7: {  	s18 =	simm.s32 $0x8180;
	s19 =	simm.s32 $0x1;
	s20 =	simm.s32 $0x0  }
0x8: {  	[smem:$0x7FF] =	sst s4;
	s8 =	sand.u32 $0x1, s5;
	s9 =	sshll.u32 s3, $0x8  }
0x9: {  	s5 =	sadd.s32 $0x3600, s7;
	s6 =	sadd.s32 $0x6800, s7;
	s10 =	sshll.u32 s8, $0x7  }
0xa: {  	_ =	strace $0x8000004A;
	s8 =	ssub.s32 $0x2, s8;
	s9 =	sor.u32 s10, s9  }
0xb: {  	s31 =	sshrl.u32 s8, $0x1;
	s10 =	sshll.u32 s9, $0x4;
	s9 =	sshrl.u32 s9, $0x3  }
0xc: {  	s12 =	ssub.s32 s8, s31;
	s10 =	sadd.s32 s10, s7;
	s11 =	sadd.s32 s9, s7  }
0xd: {  	s12 =	smax.u32 s12, $0x1;
	s7 =	sadd.s32 $0xA000, s11;
	s8 =	sadd.s32 $0x9E00, s11  }
0xe: {  	s9 =	sadd.s32 $0x1B000, s10;
	s10 =	sadd.s32 $0x1AC00, s11;
	s11 =	sadd.s32 $0x1AE00, s11  }
.LBB2_1:
0xf: {  	[tilespmem:s4], [sflag:$0x2] =	stream.linear.gather [hbm4b:s7+s4], $0x80, $0x38;
	[tilespmem:$0x8200] =	vst v63  }
0x10: {  	_ =	swait.ge [sflag:s13], $0x80  }
0x11: {  	[sflag:s13] =	ssyncset.done $0x0  }
0x12: {  	[sflag:s13] =	ssyncadd.s32 $0xFFFFFF80  }
0x13: {  	[tilespmem:s14], [sflag:$0x2] =	stream.linear.gather [hbm4b:s8+s4], $0x80, $0x38;
	[tilespmem:$0x8200] =	vst v63  }
0x14: {  	_ =	swait.ge [sflag:s13], $0x80  }
0x15: {  	[sflag:s13] =	ssyncset.done $0x0  }
0x16: {  	[sflag:s13] =	ssyncadd.s32 $0xFFFFFF80  }
0x17: {  	[tilespmem:s15], [sflag:$0x1] =	stream.indirect.gather [hbm4b:s1+s14], $0x80, s4, s14, $0xb8;
	[tilespmem:$0x8200] =	vst v63  }
0x18: {  	_ = 	snop  }
0x19: {  	[tilespmem:s16], [sflag:$0x1] =	stream.indirect.gather [hbm4b:s2+s14], $0x80, s14, s14, $0xb8;
	[tilespmem:$0x8200] =	vst v63  }
0x1a: {  	_ = 	snop  }
0x1b: {  	[tilespmem:s17], [sflag:$0x1] =	stream.indirect.gather [hbm4b:s5+s14], $0x1, s4, s14, $0xb8;
	[tilespmem:$0x8200] =	vst v63  }
0x1c: {  	_ = 	snop  }
0x1d: {  	[tilespmem:s18], [sflag:$0x1] =	stream.indirect.gather [hbm4b:s6+s14], $0x1, s14, s14, $0xb8;
	[tilespmem:$0x8200] =	vst v63  }
0x1e: {  	_ =	swait.ge [sflag:s19], $0x4000  }
0x1f: {  	[sflag:s19] =	ssyncset.done $0x0  }
0x20: {  	[sflag:s19] =	ssyncadd.s32 $0xFFFFC000  }
0x21: {  	_ =	swait.ge [sflag:s19], $0x4000  }
0x22: {  	[sflag:s19] =	ssyncset.done $0x0  }
0x23: {  	[sflag:s19] =	ssyncadd.s32 $0xFFFFC000  }
0x24: {  	_ =	swait.ge [sflag:s19], $0x80  }
0x25: {  	[sflag:s19] =	ssyncset.done $0x0  }
0x26: {  	[sflag:s19] =	ssyncadd.s32 $0xFFFFFF80  }
0x27: {  	_ =	swait.ge [sflag:s19], $0x80  }
0x28: {  	[sflag:s19] =	ssyncset.done $0x0  }
0x29: {  	s21 =	simm.s32 $0x0;
	[sflag:s19] =	ssyncadd.s32 $0xFFFFFF80  }
0x2a: {  	v7 =	vld [tilespmem:s21+$0x4100]  }
0x2b: {  	v11 =	vld [tilespmem:s21+$0x4110]  }
0x2c: {  	v5 =	vld [tilespmem:s21+$0x4120]  }
0x2d: {  	v4 =	vld [tilespmem:s21+$0x4130]  }
0x2e: {  	v3 =	vld [tilespmem:s21+$0x4140]  }
0x2f: {  	v2 =	vld [tilespmem:s21+$0x4150]  }
0x30: {  	v1 =	vld [tilespmem:s21+$0x4160]  }
0x31: {  	v0 =	vld [tilespmem:s21+$0x4170]  }
0x32: {  	v12 =	vld [tilespmem:s21+$0x100]  }
0x33: {  	v13 =	vld [tilespmem:s21+$0x110]  }
0x34: {  	v10 =	vld [tilespmem:s21+$0x120]  }
0x35: {  	v9 =	vld [tilespmem:s21+$0x130]  }
0x36: {  	v8 =	vld [tilespmem:s21+$0x140]  }
0x37: {  	v6 =	vld [tilespmem:s21+$0x150];
	v12 =	vmul.f32 v7, v12  }
0x38: {  	s22 =	simm.s32 $0x200;
	v11 =	vmul.f32 v11, v13;
	v7 =	vld [tilespmem:s21+$0x160]  }
.LBB2_2:
0x39: {  	s23 =	sshra.s32 s22, $0x2;
	p0 =	sne.s32 s22, $0xFE00;
	[tilespmem:s21+$0x100] =	vst v12;
	v5 =	vmul.f32 v5, v10;
	v10 =	vld [tilespmem:s21+$0x170]  }
0x3a: {  	v12 =	vld [tilespmem:s23+$0x4100];
	[tilespmem:s21+$0x110] =	vst v11;
	v4 =	vmul.f32 v4, v9  }
0x3b: {  	v11 =	vld [tilespmem:s23+$0x4110];
	[tilespmem:s21+$0x120] =	vst v5;
	v3 =	vmul.f32 v3, v8  }
0x3c: {  	v5 =	vld [tilespmem:s23+$0x4120];
	[tilespmem:s21+$0x130] =	vst v4;
	v2 =	vmul.f32 v2, v6  }
0x3d: {  	v4 =	vld [tilespmem:s23+$0x4130];
	[tilespmem:s21+$0x140] =	vst v3;
	v1 =	vmul.f32 v1, v7  }
0x3e: {  	v3 =	vld [tilespmem:s23+$0x4140];
	[tilespmem:s21+$0x150] =	vst v2;
	v0 =	vmul.f32 v0, v10  }
0x3f: {  	v2 =	vld [tilespmem:s23+$0x4150];
	[tilespmem:s21+$0x160] =	vst v1  }
0x40: {  	v1 =	vld [tilespmem:s23+$0x4160];
	[tilespmem:s21+$0x170] =	vst v0;
	s21 =	smov.u32 s23  }
0x41: {  	v0 =	vld [tilespmem:s21+$0x4170]  }
0x42: {  	v6 =	vld [tilespmem:s21+$0x100]  }
0x43: {  	v7 =	vld [tilespmem:s21+$0x110]  }
.Ltmp0:
0x44: {  	v10 =	vld [tilespmem:s21+$0x120];
	(pc) =	sbr.rel @p0 .LBB2_2-.Ltmp0, $4  }
0x45: {  	v9 =	vld [tilespmem:s21+$0x130]  }
0x46: {  	v8 =	vld [tilespmem:s21+$0x140]  }
0x47: {  	v12 =	vmul.f32 v12, v6;
	v6 =	vld [tilespmem:s21+$0x150]  }
0x48: {  	s22 =	sadd.s32 $0x200, s22;
	v11 =	vmul.f32 v11, v7;
	v7 =	vld [tilespmem:s21+$0x160]  }
0x49: {  	[tilespmem:s21+$0x100] =	vst v12;
	v5 =	vmul.f32 v5, v10;
	v63 =	vld [tilespmem:s21+$0x170]  }
0x4a: {  	[tilespmem:s21+$0x110] =	vst v11;
	v4 =	vmul.f32 v4, v9  }
0x4b: {  	[tilespmem:s21+$0x120] =	vst v5;
	v3 =	vmul.f32 v3, v8  }
0x4c: {  	[tilespmem:s21+$0x130] =	vst v4;
	v2 =	vmul.f32 v2, v6  }
0x4d: {  	[tilespmem:s21+$0x140] =	vst v3;
	v1 =	vmul.f32 v1, v7  }
0x4e: {  	[tilespmem:s21+$0x150] =	vst v2;
	v0 =	vmul.f32 v0, v63  }
0x4f: {  	[tilespmem:s21+$0x160] =	vst v1  }
0x50: {  	[tilespmem:s21+$0x170] =	vst v0  }
0x51: {  	[hbm4b:s9+s4] =	stream.linear.scatter [tilespmem:s15], [sflag:$0x2], $0x4000, $0x38;
	[tilespmem:$0x8200] =	vst v63  }
0x52: {  	_ =	swait.ge [sflag:s13], $0x4000  }
0x53: {  	[sflag:s13] =	ssyncset.done $0x0  }
0x54: {  	[sflag:s13] =	ssyncadd.s32 $0xFFFFC000  }
0x55: {  	[hbm4b:s10+s4] =	stream.linear.scatter [tilespmem:s17], [sflag:$0x2], $0x80, $0x38;
	[tilespmem:$0x8200] =	vst v63  }
0x56: {  	s20 =	sadd.s32 $0x1, s20;
	_ =	swait.ge [sflag:s13], $0x80  }
0x57: {  	p0 =	sne.s32 s20, s12;
	[sflag:s13] =	ssyncset.done $0x0  }
.Ltmp1:
0x58: {  	[sflag:s13] =	ssyncadd.s32 $0xFFFFFF80;
	(pc) =	sbr.rel @p0 .LBB2_1-.Ltmp1, $4  }
0x59: {  	[hbm4b:s11+s4] =	stream.linear.scatter [tilespmem:s18], [sflag:$0x2], $0x80, $0x38;
	[tilespmem:$0x8200] =	vst v63  }
0x5a: {  	_ =	swait.ge [sflag:s13], $0x80  }
0x5b: {  	[sflag:s13] =	ssyncset.done $0x0  }
0x5c: {  	[sflag:s13] =	ssyncadd.s32 $0xFFFFFF80  }
0x5d: {  	_ =	sfence.sel $0x180000  }
0x5e: {  	[bflag:$0x0] =	sbarrier.arrive $0xFFFF  }
0x5f: {  	p0 =	sne.s32 s3, $0x0;
	_ =	strace $0x9000004A  }
0x60: {  	s0 =	sadd.s32 @!p0 $0x100000, s0;
	[bflag:$0x2] =	sbarrier.arrive $0xFFFF  }
0x61: {  	[sflag:s0] =	ssyncadd.tile.s32 @!p0 $0x1;
	_ =	shalt  }
.Lfunc_end2:
_tile_overlayer_lowered:
.L_overlay_start_2:
0x62: {  	(tag) =	ssettag $0x2  }
0x63: {  	s0 =	rddreg [dreg:$0x0];
	s2 =	stileid.u32  }
0x64: {  	s1 =	rddreg [dreg:$0x1];
	p0 =	sne.s32 s2, $0x0  }
0x65: {  	s3 =	rddreg [dreg:$0x2];
	[bflag:$0x3] =	sbarrier.arrive $0xFFFF;
	s2 =	simm.s32 @!p0 $0x1C02  }
0x66: {  	[timem:s3], [sflag:s2] =	dma.local @!p0 [hbm:s0], s1  }
0x67: {  	s0 =	simm.s32 @!p0 $0x2  }
0x68: {  	_ =	swait.ge @!p0 [sflag:s0], s1  }
0x69: {  	s1 =	ssub.s32 @!p0 $0x0, s1;
	[sflag:s0] =	ssyncset.done @!p0 $0x0  }
0x6a: {  	[sflag:s0] =	ssyncadd.s32 @!p0 s1  }
0x6b: {  	[bflag:$0x3] =	sbarrier.arrive $0xFFFF  }
0x6c: {  	_ =	shalt  }

// kernel: kernel.19.cloned.1.call-start
scs
__scs_entry_jumppad:
0x0: {  	(pc) =	sbr.rel $0x88, $3  }
0x1: {  	(tag) =	ssettag $0x0;
	lr =	simm.s32 $0x1  }
0x2: {  	[smem:$0x3F93] =	sst lr;
	_ =	strace $0xD0000000  }
0x3: {  	_ = 	snop  }
0x4: {  	_ = 	snop  }
0x5: {  	_ = 	snop  }
0x6: {  	_ = 	snop  }
0x7: {  	_ = 	snop  }
__scs_overlays_trampoline_lowered:
0x8: {  	[smem:$0x3FA2] =	sst s0  }
0x9: {  	[smem:$0x3FA3] =	sst s1  }
0xa: {  	[smem:$0x3FA4] =	sst s2  }
0xb: {  	[smem:$0x3FA5] =	sst s3  }
0xc: {  	[smem:$0x3FA6] =	sst s4  }
0xd: {  	[smem:$0x3FA7] =	sst s5  }
0xe: {  	[smem:$0x3FA8] =	sst s6  }
0xf: {  	[smem:$0x3FA9] =	sst s7  }
0x10: {  	[smem:$0x3FAA] =	sst s8  }
0x11: {  	[smem:$0x3FAB] =	sst s9;
	s0 =	simm.s32 @!p0 $0x0  }
0x12: {  	s1 =	sld [smem:$0x3F91];
	s0 =	simm.s32 @p0 $0x1  }
0x13: {  	[smem:$0x3FAC] =	sst s0;
	s0 =	simm.s32 @!p1 $0x0  }
0x14: {  	s2 =	sld [smem:$0x3F90];
	s0 =	simm.s32 @p1 $0x1  }
0x15: {  	[smem:$0x3FAD] =	sst s0;
	s0 =	simm.s32 @!p2 $0x0  }
0x16: {  	s3 =	sld [smem:$0x3FDB];
	s0 =	simm.s32 @p2 $0x1  }
0x17: {  	s4 =	simm.s32 $0x1BF5;
	[smem:$0x3FAF] =	sst s0  }
0x18: {  	s0 =	sld [smem:$0x3F92];
	_ =	swait.ge [sflag:s4], $0x0  }
0x19: {  	s7 =	sld [smem:$0x3F93]  }
0x1a: {  	s8 =	sadd.s32 $0xFFFFE003, lr  }
0x1b: {  	s9 =	sadd.s32 $0xFFFFFEF7, lr;
	s5 =	simm.s32 $0xFFFFFFFF;
	p2 =	slt.u32 s8, $0xFFFFF086  }
0x1c: {  	p1 =	slt.u32 s9, $0xF7A;
	s5 =	simm.s32 @!p2 $0x0  }
0x1d: {  	s5 =	simm.s32 @p1 $0x1;
	p0 =	seq.s32 s7, s2  }
0x1e: {  	s7 =	smul.u32 @!p0 $0xF7A, s2;
	p2 =	seq.s32 @!p0 s5, $0x0  }
0x1f: {  	s9 =	smul.u32 $0xF7A, s1;
	s8 =	simm.s32 @!p0 $0x1BF5;
	p2 =	por !p2, p0  }
0x20: {  	[sflag:s8] =	ssyncset.s32 @!p0 $0xFFFFF086;
	s6 =	sadd.s32 @!p0 s3, s7;
	s7 =	simm.s32 @!p0 $0x108  }
0x21: {  	s3 =	sadd.s32 s3, s9;
	s6 =	sadd.s32 @!p0 $0x88, s6;
	s7 =	simm.s32 @p2 $0x1082  }
0x22: {  	[simem:s7], [sflag:s8] =	dma.local @!p0 [hbm:s6], $0xF7A  }
0x23: {  	s9 =	sor.u32 $0xD0000000, s2;
	s6 =	simm.s32 $0x108;
	_ =	swait.ge @!p0 [sflag:s8], $0x0  }
0x24: {  	s3 =	sadd.s32 $0x88, s3;
	s6 =	simm.s32 @!p1 $0x1082;
	[sflag:s4] =	ssyncset.s32 $0xFFFFF086  }
0x25: {  	[simem:s6], [sflag:s4] =	dma.local [hbm:s3], $0xF7A  }
0x26: {  	[smem:$0x3F93] =	sst s1;
	(tag) =	ssettag s2;
	_ =	strace s9  }
0x27: {  	s1 =	sld [smem:$0x3FA3]  }
0x28: {  	s2 =	sld [smem:$0x3FA4]  }
0x29: {  	s4 =	sld [smem:$0x3FA6]  }
0x2a: {  	p0 =	seq.s32 s5, $0x0;
	s5 =	sld [smem:$0x3FA7]  }
0x2b: {  	s6 =	sld [smem:$0x3FA8]  }
0x2c: {  	s7 =	sld [smem:$0x3FA9]  }
0x2d: {  	s3 =	simm.s32 $0x108;
	s8 =	sld [smem:$0x3FAA]  }
0x2e: {  	s3 =	simm.s32 @!p0 $0x1082;
	s9 =	sld [smem:$0x3FAB]  }
0x2f: {  	lr =	sadd.s32 s0, s3;
	s0 =	sld [smem:$0x3FA2]  }
0x30: {  	s3 =	sld [smem:$0x3FA5]  }
0x31: {  	[smem:$0x3FAE] =	sst s10  }
0x32: {  	s10 =	sld [smem:$0x3FAC];
	_ =	sdelay $0x3  }
0x33: {  	p0 =	seq.s32 s10, $0x1;
	s10 =	sld [smem:$0x3FAE];
	_ =	sdelay $0x3  }
0x34: {  	[smem:$0x3FAE] =	sst s10  }
0x35: {  	s10 =	sld [smem:$0x3FAD];
	_ =	sdelay $0x3  }
0x36: {  	p1 =	seq.s32 s10, $0x1;
	s10 =	sld [smem:$0x3FAE];
	_ =	sdelay $0x3  }
0x37: {  	[smem:$0x3FAE] =	sst s10  }
0x38: {  	s10 =	sld [smem:$0x3FAF]  }
0x39: {  	_ = 	snop;
	(pc) =	sbr.ind lr, $3  }
0x3a: {  	_ = 	snop  }
0x3b: {  	_ = 	snop  }
0x3c: {  	p2 =	seq.s32 s10, $0x1;
	s10 =	sld [smem:$0x3FAE]  }
0x3d: {  	_ =	shalt  }
0x3e: {  	_ =	shalt  }
0x3f: {  	_ =	shalt  }
0x40: {  	_ =	shalt  }
0x41: {  	_ =	shalt  }
0x42: {  	_ =	shalt  }
0x43: {  	_ =	shalt  }
0x44: {  	_ =	shalt  }
0x45: {  	_ =	shalt  }
0x46: {  	_ =	shalt  }
0x47: {  	_ =	shalt  }
0x48: {  	_ =	shalt  }
0x49: {  	_ =	shalt  }
0x4a: {  	_ =	shalt  }
0x4b: {  	_ =	shalt  }
0x4c: {  	_ =	shalt  }
0x4d: {  	_ =	shalt  }
0x4e: {  	_ =	shalt  }
0x4f: {  	_ =	shalt  }
0x50: {  	_ =	shalt  }
0x51: {  	_ =	shalt  }
0x52: {  	_ =	shalt  }
0x53: {  	_ =	shalt  }
0x54: {  	_ =	shalt  }
0x55: {  	_ =	shalt  }
0x56: {  	_ =	shalt  }
0x57: {  	_ =	shalt  }
0x58: {  	_ =	shalt  }
0x59: {  	_ =	shalt  }
0x5a: {  	_ =	shalt  }
0x5b: {  	_ =	shalt  }
0x5c: {  	_ =	shalt  }
0x5d: {  	_ =	shalt  }
0x5e: {  	_ =	shalt  }
0x5f: {  	_ =	shalt  }
0x60: {  	_ =	shalt  }
0x61: {  	_ =	shalt  }
0x62: {  	_ =	shalt  }
0x63: {  	_ =	shalt  }
0x64: {  	_ =	shalt  }
0x65: {  	_ =	shalt  }
0x66: {  	_ =	shalt  }
0x67: {  	_ =	shalt  }
0x68: {  	_ =	shalt  }
0x69: {  	_ =	shalt  }
0x6a: {  	_ =	shalt  }
0x6b: {  	_ =	shalt  }
0x6c: {  	_ =	shalt  }
0x6d: {  	_ =	shalt  }
0x6e: {  	_ =	shalt  }
0x6f: {  	_ =	shalt  }
0x70: {  	_ =	shalt  }
0x71: {  	_ =	shalt  }
0x72: {  	_ =	shalt  }
0x73: {  	_ =	shalt  }
0x74: {  	_ =	shalt  }
0x75: {  	_ =	shalt  }
0x76: {  	_ =	shalt  }
0x77: {  	_ =	shalt  }
0x78: {  	_ =	shalt  }
0x79: {  	_ =	shalt  }
0x7a: {  	_ =	shalt  }
0x7b: {  	_ =	shalt  }
0x7c: {  	_ =	shalt  }
0x7d: {  	_ =	shalt  }
0x7e: {  	_ =	shalt  }
0x7f: {  	_ =	shalt  }
0x80: {  	_ =	shalt  }
0x81: {  	_ =	shalt  }
0x82: {  	_ =	shalt  }
0x83: {  	_ =	shalt  }
0x84: {  	_ =	shalt  }
0x85: {  	_ =	shalt  }
0x86: {  	_ =	shalt  }
0x87: {  	_ =	shalt  }
.Lfunc_end0:
.L_simem_size_0:
called_computation.3_lowered:
.L_overlay_start_0:
0x88: {  	s2 =	sld [smem:$0x3FD9]  }
0x89: {  	s3 =	sld [smem:$0x3FFE];
	_ =	sdelay $0x1  }
0x8a: {  	s1 =	srdreg.scid  }
0x8b: {  	s0 =	sand.u32 $0x1, s1  }
0x8c: {  	s17 =	sshll.u32 s0, $0xA;
	s2 =	sadd.s32 s3, s2  }
0x8d: {  	s2 =	sadd.s32 s2, s17  }
0x8e: {  	[smem:$0x3FBA] =	sst s2  }
0x8f: {  	_ = 	snop  }
0x90: {  	s2 =	sld [smem:$0x3FC7]  }
0x91: {  	s18 =	sld [smem:$0x3FC6];
	(tm) =	ssettm $0x1  }
0x92: {  	s4 =	sld [smem:$0x3FFB];
	_ =	sdelay $0x3  }
0x93: {  	_ =	strace s4  }
0x94: {  	s4 =	sld [smem:$0x3FFC];
	_ =	sdelay $0x3  }
0x95: {  	_ =	strace s4  }
0x96: {  	s4 =	sld [smem:$0x3FFD];
	_ =	sdelay $0x3  }
0x97: {  	_ =	strace s4  }
0x98: {  	_ =	strace $0x8FFFFFFF  }
0x99: {  	s19 =	sld [smem:$0x3FDB];
	_ =	sdelay $0x1  }
0x9a: {  	s5 =	simm.s32 $_scs_section_size  }
0x9b: {  	s6 =	simm.s32 $_size__tile_overlayer_lowered;
	s7 =	simm.s32 $_tile_overlayer_lowered  }
0x9c: {  	s22 =	simm.s32 $0x1BFF;
	s21 =	sshll.u32 s7, $0x1;
	s4 =	sadd.s32 s5, s19  }
0x9d: {  	s8 =	simm.s32 $0x0;
	s20 =	sshll.u32 s6, $0x1;
	s6 =	sadd.s32 s21, s4  }
0x9e: {  	[timem:s8], [sflag:s22] =	dma.local [hbm:s6], s20  }
0x9f: {  	_ =	swait.ge [sflag:s22], s20  }
0xa0: {  	s5 =	ssub.s32 $0x0, s20;
	[sflag:s22] =	ssyncset.done $0x0  }
0xa1: {  	[sflag:s22] =	ssyncadd.s32 s5;
	_ =	sdelay $0x1  }
0xa2: {  	s23 =	simm.s32 $0x1B8B  }
0xa3: {  	_ =	swait.ge [sflag:s23], $0x1  }
0xa4: {  	[sflag:s23] =	ssyncset.done $0x0  }
0xa5: {  	s25 =	simm.s32 $0x1B8E;
	s24 =	sld [smem:$0x3FFE];
	[sflag:s23] =	ssyncadd.s32 $0xFFFFFFFF  }
0xa6: {  	s26 =	simm.s32 $execute0_lowered;
	[smem:$0x3FD2] =	sst s25  }
0xa7: {  	s6 =	sshll.u32 s26, $0x1;
	_ =	strace $0x80000046;
	[dreg:$0x1] =	wrdreg $0xFFFFFFFF  }
0xa8: {  	s28 =	simm.s32 $_size_execute0_lowered;
	s4 =	sadd.s32 s4, s6;
	[dreg:$0x0] =	wrdreg $0x0  }
0xa9: {  	s6 =	sshll.u32 s28, $0x1;
	[dreg:$0x2] =	wrdreg s4  }
0xaa: {  	[dreg:$0x3] =	wrdreg s6  }
0xab: {  	[dreg:$0x4] =	wrdreg $0xC0  }
0xac: {  	_ =	task [dreg:s8], $0x5FFFF  }
0xad: {  	[dreg:$0x1] =	wrdreg $0xFFFFFFFF  }
0xae: {  	[dreg:$0x0] =	wrdreg $0x60  }
0xaf: {  	[dreg:$0x2] =	wrdreg s24  }
0xb0: {  	[dreg:$0x3] =	wrdreg s2  }
0xb1: {  	[dreg:$0x4] =	wrdreg s18  }
0xb2: {  	[dreg:$0x5] =	wrdreg $0xC  }
0xb3: {  	_ =	task.clear_ibuf [dreg:s8], $0x6FFFF;
	_ =	strace $0x90000046  }
0xb4: {  	s29 =	simm.s32 $0xC;
	_ =	strace $0x80000048  }
0xb5: {  	_ =	swait.ge [sflag:s29], $0x1  }
0xb6: {  	[sflag:s29] =	ssyncadd.s32 $0xFFFFFFFF  }
0xb7: {  	_ =	strace $0x90000048  }
0xb8: {  	_ =	sfence  }
0xb9: {  	s30 =	sld [smem:$0x0];
	_ =	sdelay $0x2  }
0xba: {  	s31 =	sshll.u32 s1, $0xD;
	s1 =	sshrl.u32 s1, $0x2  }
0xbb: {  	s3 =	sand.u32 $0x4000, s31;
	s1 =	sadd.s32 s1, s30  }
0xbc: {  	s0 =	sor.u32 s3, s0;
	s1 =	sshll.u32 s1, $0x11  }
0xbd: {  	s0 =	sor.u32 s1, s0  }
0xbe: {  	s0 =	sadd.s32 $0x8F2B, s0  }
0xbf: {  	[sflag:s0] =	ssyncadd.remote.s32 $0x1  }
0xc0: {  	_ =	sfence.sel $0xFFFF  }
0xc1: {  	[dreg:$0x0] =	wrdreg $0xFFFFFFFF;
	(pc) =	sbr.abs _section_cstart, $3  }
0xc2: {  	[dreg:$0x1] =	wrdreg $0xFFFFFFFF  }
0xc3: {  	_ =	task.clear_ibuf [dreg:s8], $0x2FFFF;
	_ =	strace $0x9FFFFFFF  }
0xc4: {  	(tm) =	ssettm $0x7FFFFFFF  }
0xc5: {  	_ =	shalt  }
tec
execute0_lowered:
.L_overlay_start_1:
0x0: {  	(tag) =	ssettag $0x1  }
0x1: {  	s7 =	rddreg [dreg:$0x0]  }
0x2: {  	s1 =	rddreg [dreg:$0x1]  }
0x3: {  	s2 =	rddreg [dreg:$0x2]  }
0x4: {  	s0 =	rddreg [dreg:$0x3];
	s4 =	simm.s32 $0x0;
	s5 =	srdreg.scid  }
0x5: {  	s3 =	stileid.u32;
	s13 =	simm.s32 $0x2;
	s14 =	simm.s32 $0x80  }
0x6: {  	s15 =	simm.s32 $0x100;
	s16 =	simm.s32 $0x4100;
	s17 =	simm.s32 $0x8100  }
0x7: {  	s18 =	simm.s32 $0x8180;
	s19 =	simm.s32 $0x1;
	s20 =	simm.s32 $0x0  }
0x8: {  	[smem:$0x7FF] =	sst s4;
	s8 =	sand.u32 $0x1, s5;
	s9 =	sshll.u32 s3, $0x8  }
0x9: {  	s5 =	sadd.s32 $0x3600, s7;
	s6 =	sadd.s32 $0x6800, s7;
	s10 =	sshll.u32 s8, $0x7  }
0xa: {  	_ =	strace $0x80000047;
	s8 =	ssub.s32 $0x2, s8;
	s9 =	sor.u32 s10, s9  }
0xb: {  	s31 =	sshrl.u32 s8, $0x1;
	s10 =	sshll.u32 s9, $0x4;
	s9 =	sshrl.u32 s9, $0x3  }
0xc: {  	s12 =	ssub.s32 s8, s31;
	s10 =	sadd.s32 s10, s7;
	s11 =	sadd.s32 s9, s7  }
0xd: {  	s12 =	smax.u32 s12, $0x1;
	s7 =	sadd.s32 $0x9C00, s11;
	s8 =	sadd.s32 $0x9A00, s11  }
0xe: {  	s9 =	sadd.s32 $0xAC00, s10;
	s10 =	sadd.s32 $0xA800, s11;
	s11 =	sadd.s32 $0xAA00, s11  }
.LBB2_1:
0xf: {  	[tilespmem:s4], [sflag:$0x2] =	stream.linear.gather [hbm4b:s7+s4], $0x80, $0x38;
	[tilespmem:$0x8200] =	vst v63  }
0x10: {  	_ =	swait.ge [sflag:s13], $0x80  }
0x11: {  	[sflag:s13] =	ssyncset.done $0x0  }
0x12: {  	[sflag:s13] =	ssyncadd.s32 $0xFFFFFF80  }
0x13: {  	[tilespmem:s14], [sflag:$0x2] =	stream.linear.gather [hbm4b:s8+s4], $0x80, $0x38;
	[tilespmem:$0x8200] =	vst v63  }
0x14: {  	_ =	swait.ge [sflag:s13], $0x80  }
0x15: {  	[sflag:s13] =	ssyncset.done $0x0  }
0x16: {  	[sflag:s13] =	ssyncadd.s32 $0xFFFFFF80  }
0x17: {  	[tilespmem:s15], [sflag:$0x1] =	stream.indirect.gather [hbm4b:s1+s14], $0x80, s4, s14, $0xb8;
	[tilespmem:$0x8200] =	vst v63  }
0x18: {  	_ = 	snop  }
0x19: {  	[tilespmem:s16], [sflag:$0x1] =	stream.indirect.gather [hbm4b:s2+s14], $0x80, s14, s14, $0xb8;
	[tilespmem:$0x8200] =	vst v63  }
0x1a: {  	_ = 	snop  }
0x1b: {  	[tilespmem:s17], [sflag:$0x1] =	stream.indirect.gather [hbm4b:s5+s14], $0x1, s4, s14, $0xb8;
	[tilespmem:$0x8200] =	vst v63  }
0x1c: {  	_ = 	snop  }
0x1d: {  	[tilespmem:s18], [sflag:$0x1] =	stream.indirect.gather [hbm4b:s6+s14], $0x1, s14, s14, $0xb8;
	[tilespmem:$0x8200] =	vst v63  }
0x1e: {  	_ =	swait.ge [sflag:s19], $0x4000  }
0x1f: {  	[sflag:s19] =	ssyncset.done $0x0  }
0x20: {  	[sflag:s19] =	ssyncadd.s32 $0xFFFFC000  }
0x21: {  	_ =	swait.ge [sflag:s19], $0x4000  }
0x22: {  	[sflag:s19] =	ssyncset.done $0x0  }
0x23: {  	[sflag:s19] =	ssyncadd.s32 $0xFFFFC000  }
0x24: {  	_ =	swait.ge [sflag:s19], $0x80  }
0x25: {  	[sflag:s19] =	ssyncset.done $0x0  }
0x26: {  	[sflag:s19] =	ssyncadd.s32 $0xFFFFFF80  }
0x27: {  	_ =	swait.ge [sflag:s19], $0x80  }
0x28: {  	[sflag:s19] =	ssyncset.done $0x0  }
0x29: {  	s21 =	simm.s32 $0x0;
	[sflag:s19] =	ssyncadd.s32 $0xFFFFFF80  }
0x2a: {  	v7 =	vld [tilespmem:s21+$0x4100]  }
0x2b: {  	v11 =	vld [tilespmem:s21+$0x4110]  }
0x2c: {  	v5 =	vld [tilespmem:s21+$0x4120]  }
0x2d: {  	v4 =	vld [tilespmem:s21+$0x4130]  }
0x2e: {  	v3 =	vld [tilespmem:s21+$0x4140]  }
0x2f: {  	v2 =	vld [tilespmem:s21+$0x4150]  }
0x30: {  	v1 =	vld [tilespmem:s21+$0x4160]  }
0x31: {  	v0 =	vld [tilespmem:s21+$0x4170]  }
0x32: {  	v12 =	vld [tilespmem:s21+$0x100]  }
0x33: {  	v13 =	vld [tilespmem:s21+$0x110]  }
0x34: {  	v10 =	vld [tilespmem:s21+$0x120]  }
0x35: {  	v9 =	vld [tilespmem:s21+$0x130]  }
0x36: {  	v8 =	vld [tilespmem:s21+$0x140]  }
0x37: {  	v6 =	vld [tilespmem:s21+$0x150];
	v12 =	vmul.f32 v7, v12  }
0x38: {  	s22 =	simm.s32 $0x200;
	v11 =	vmul.f32 v11, v13;
	v7 =	vld [tilespmem:s21+$0x160]  }
.LBB2_2:
0x39: {  	s23 =	sshra.s32 s22, $0x2;
	p0 =	sne.s32 s22, $0xFE00;
	[tilespmem:s21+$0x100] =	vst v12;
	v5 =	vmul.f32 v5, v10;
	v10 =	vld [tilespmem:s21+$0x170]  }
0x3a: {  	v12 =	vld [tilespmem:s23+$0x4100];
	[tilespmem:s21+$0x110] =	vst v11;
	v4 =	vmul.f32 v4, v9  }
0x3b: {  	v11 =	vld [tilespmem:s23+$0x4110];
	[tilespmem:s21+$0x120] =	vst v5;
	v3 =	vmul.f32 v3, v8  }
0x3c: {  	v5 =	vld [tilespmem:s23+$0x4120];
	[tilespmem:s21+$0x130] =	vst v4;
	v2 =	vmul.f32 v2, v6  }
0x3d: {  	v4 =	vld [tilespmem:s23+$0x4130];
	[tilespmem:s21+$0x140] =	vst v3;
	v1 =	vmul.f32 v1, v7  }
0x3e: {  	v3 =	vld [tilespmem:s23+$0x4140];
	[tilespmem:s21+$0x150] =	vst v2;
	v0 =	vmul.f32 v0, v10  }
0x3f: {  	v2 =	vld [tilespmem:s23+$0x4150];
	[tilespmem:s21+$0x160] =	vst v1  }
0x40: {  	v1 =	vld [tilespmem:s23+$0x4160];
	[tilespmem:s21+$0x170] =	vst v0;
	s21 =	smov.u32 s23  }
0x41: {  	v0 =	vld [tilespmem:s21+$0x4170]  }
0x42: {  	v6 =	vld [tilespmem:s21+$0x100]  }
0x43: {  	v7 =	vld [tilespmem:s21+$0x110]  }
.Ltmp0:
0x44: {  	v10 =	vld [tilespmem:s21+$0x120];
	(pc) =	sbr.rel @p0 .LBB2_2-.Ltmp0, $4  }
0x45: {  	v9 =	vld [tilespmem:s21+$0x130]  }
0x46: {  	v8 =	vld [tilespmem:s21+$0x140]  }
0x47: {  	v12 =	vmul.f32 v12, v6;
	v6 =	vld [tilespmem:s21+$0x150]  }
0x48: {  	s22 =	sadd.s32 $0x200, s22;
	v11 =	vmul.f32 v11, v7;
	v7 =	vld [tilespmem:s21+$0x160]  }
0x49: {  	[tilespmem:s21+$0x100] =	vst v12;
	v5 =	vmul.f32 v5, v10;
	v63 =	vld [tilespmem:s21+$0x170]  }
0x4a: {  	[tilespmem:s21+$0x110] =	vst v11;
	v4 =	vmul.f32 v4, v9  }
0x4b: {  	[tilespmem:s21+$0x120] =	vst v5;
	v3 =	vmul.f32 v3, v8  }
0x4c: {  	[tilespmem:s21+$0x130] =	vst v4;
	v2 =	vmul.f32 v2, v6  }
0x4d: {  	[tilespmem:s21+$0x140] =	vst v3;
	v1 =	vmul.f32 v1, v7  }
0x4e: {  	[tilespmem:s21+$0x150] =	vst v2;
	v0 =	vmul.f32 v0, v63  }
0x4f: {  	[tilespmem:s21+$0x160] =	vst v1  }
0x50: {  	[tilespmem:s21+$0x170] =	vst v0  }
0x51: {  	[hbm4b:s9+s4] =	stream.linear.scatter [tilespmem:s15], [sflag:$0x2], $0x4000, $0x38;
	[tilespmem:$0x8200] =	vst v63  }
0x52: {  	_ =	swait.ge [sflag:s13], $0x4000  }
0x53: {  	[sflag:s13] =	ssyncset.done $0x0  }
0x54: {  	[sflag:s13] =	ssyncadd.s32 $0xFFFFC000  }
0x55: {  	[hbm4b:s10+s4] =	stream.linear.scatter [tilespmem:s17], [sflag:$0x2], $0x80, $0x38;
	[tilespmem:$0x8200] =	vst v63  }
0x56: {  	s20 =	sadd.s32 $0x1, s20;
	_ =	swait.ge [sflag:s13], $0x80  }
0x57: {  	p0 =	sne.s32 s20, s12;
	[sflag:s13] =	ssyncset.done $0x0  }
.Ltmp1:
0x58: {  	[sflag:s13] =	ssyncadd.s32 $0xFFFFFF80;
	(pc) =	sbr.rel @p0 .LBB2_1-.Ltmp1, $4  }
0x59: {  	[hbm4b:s11+s4] =	stream.linear.scatter [tilespmem:s18], [sflag:$0x2], $0x80, $0x38;
	[tilespmem:$0x8200] =	vst v63  }
0x5a: {  	_ =	swait.ge [sflag:s13], $0x80  }
0x5b: {  	[sflag:s13] =	ssyncset.done $0x0  }
0x5c: {  	[sflag:s13] =	ssyncadd.s32 $0xFFFFFF80  }
0x5d: {  	_ =	sfence.sel $0x180000  }
0x5e: {  	[bflag:$0x0] =	sbarrier.arrive $0xFFFF  }
0x5f: {  	p0 =	sne.s32 s3, $0x0;
	_ =	strace $0x90000047  }
0x60: {  	s0 =	sadd.s32 @!p0 $0x100000, s0;
	[bflag:$0x2] =	sbarrier.arrive $0xFFFF  }
0x61: {  	[sflag:s0] =	ssyncadd.tile.s32 @!p0 $0x1;
	_ =	shalt  }
.Lfunc_end2:
_tile_overlayer_lowered:
.L_overlay_start_2:
0x62: {  	(tag) =	ssettag $0x2  }
0x63: {  	s0 =	rddreg [dreg:$0x0];
	s2 =	stileid.u32  }
0x64: {  	s1 =	rddreg [dreg:$0x1];
	p0 =	sne.s32 s2, $0x0  }
0x65: {  	s3 =	rddreg [dreg:$0x2];
	[bflag:$0x3] =	sbarrier.arrive $0xFFFF;
	s2 =	simm.s32 @!p0 $0x1C02  }
0x66: {  	[timem:s3], [sflag:s2] =	dma.local @!p0 [hbm:s0], s1  }
0x67: {  	s0 =	simm.s32 @!p0 $0x2  }
0x68: {  	_ =	swait.ge @!p0 [sflag:s0], s1  }
0x69: {  	s1 =	ssub.s32 @!p0 $0x0, s1;
	[sflag:s0] =	ssyncset.done @!p0 $0x0  }
0x6a: {  	[sflag:s0] =	ssyncadd.s32 @!p0 s1  }
0x6b: {  	[bflag:$0x3] =	sbarrier.arrive $0xFFFF  }
0x6c: {  	_ =	shalt  }

</sc_bundles>
